<compile_context>
chip_gen: v7x
topology: tpu7x:2x2x1
jax: 0.10.2.dev20260603
libtpu: 0.0.44.dev20260713+nightly
codegen_flags: <defaults>
</compile_context>

<pallas_src>
import functools

import jax
import jax.numpy as jnp
from jax import lax
from jax.experimental import pallas as pl
from jax.experimental.pallas import tpu as pltpu
from jax.experimental.pallas import tpu_sc as plsc

_EPS = 1e-5

_V, _D = 1000, 64
_B, _L = 16384, 50
_BL = _B * _L
_LP, _DP = 56, 128

_NB = 4
_CH = _NB * _L
_W = 4


def _layer_norm(x, g, b):
    m = jnp.mean(x, axis=-1, keepdims=True)
    v = jnp.mean((x - m) ** 2, axis=-1, keepdims=True)
    return (x - m) / jnp.sqrt(v + _EPS) * g + b


def _transform_body(t_ref, w1_ref, b1_ref, g1_ref, be1_ref,
                    w2_ref, b2_ref, g2_ref, be2_ref, o_ref):
    x = t_ref[...]
    x = jnp.dot(x, w1_ref[...], preferred_element_type=jnp.float32) + b1_ref[...]
    x = _layer_norm(x, g1_ref[...], be1_ref[...])
    x = jnp.maximum(x, 0.0)
    x = jnp.dot(x, w2_ref[...], preferred_element_type=jnp.float32) + b2_ref[...]
    x = _layer_norm(x, g2_ref[...], be2_ref[...])
    o_ref[...] = jnp.concatenate([x, jnp.zeros_like(x)], axis=1)


def _transform_table(table, w1t, b1, g1, be1, w2t, b2, g2, be2):
    v, d = table.shape
    row = lambda a: a.reshape(1, d)
    return pl.pallas_call(
        _transform_body,
        out_shape=jax.ShapeDtypeStruct((v, _DP), jnp.float32),
    )(table, w1t, row(b1), row(g1), row(be1), w2t, row(b2), row(g2), row(be2))


def _make_sc_gather(bb, ll, d):
    info = plsc.get_sparse_core_info()
    nc, ns = info.num_cores, info.num_subcores
    nw = nc * ns
    b_w = bb // nw
    t_w = b_w * ll
    nchunk = b_w // _NB
    nwin = nchunk // _W
    mesh = plsc.VectorSubcoreMesh(core_axis_name="c", subcore_axis_name="s")

    @functools.partial(
        pl.kernel, mesh=mesh,
        out_type=jax.ShapeDtypeStruct((bb, _LP, _DP), jnp.float32),
        compiler_params=pltpu.CompilerParams(use_tc_tiling_on_sc=False),
        scratch_types=[
            pltpu.VMEM((t_w,), jnp.int32),
            pltpu.VMEM((2, _CH, _DP), jnp.float32),
            pltpu.VMEM_SHARED((_V, _DP), jnp.float32),
            pltpu.SemaphoreType.DMA,
        ],
    )
    def gather(tab_hbm, idx_hbm, out_hbm, idx_v, rows_v, tab_sh, gsem):
        sid = lax.axis_index("s")
        wid = sid * nc + lax.axis_index("c")
        base = wid * b_w
        @pl.when(sid == 0)
        def _():
            pltpu.sync_copy(tab_hbm, tab_sh)
        pltpu.sync_copy(idx_hbm.at[pl.ds(wid * t_w, t_w)], idx_v)
        plsc.subcore_barrier()

        def fire(c, slot):
            return pltpu.async_copy(
                tab_sh.at[idx_v.at[pl.ds(c * _CH, _CH)]], rows_v.at[slot], gsem)

        def window(w, carry):
            c0 = w * _W
            cps = [fire(c0, 0)]
            for j in range(_W):
                c = c0 + j
                cps[j].wait()
                if j + 1 < _W:
                    cps.append(fire(c0 + j + 1, (j + 1) % 2))
                for b in range(_NB):
                    pltpu.sync_copy(
                        rows_v.at[j % 2, pl.ds(b * ll, ll), pl.ds(0, d)],
                        out_hbm.at[base + c * _NB + b, pl.ds(0, ll), pl.ds(0, d)])
            return carry

        lax.fori_loop(0, nwin, window, 0)

    return gather


_sc_gather = _make_sc_gather(_B, _L, _D)


def kernel(action, table, W1, b1, g1, be1, W2, b2, g2, be2):
    tab_t = _transform_table(table, W1.T, b1, g1, be1, W2.T, b2, g2, be2)
    idx = action.reshape(_BL)
    out_p = _sc_gather(tab_t, idx)
    return out_p[:, :_L, :_D]

# --- scband reference (transcript-rebuilt; emitter-appended) ---
"""Pipeline reference for scband-action-embedding-6141803234041 (READ-ONLY COPY).

The authoritative reference and input builder live on the scoring server;
editing this copy changes nothing except your own understanding.
"""

import jax, jax.numpy as jnp
import numpy as np

EPS = 1e-5

def _layer_norm(x, g, b):
    m = jnp.mean(x, axis=-1, keepdims=True)
    v = jnp.mean((x - m) ** 2, axis=-1, keepdims=True)
    return (x - m) / jnp.sqrt(v + EPS) * g + b

def setup_inputs(seed: int = 0) -> dict:
    key = jax.random.key(seed)
    ks = jax.random.split(key, 8)
    num_actions, D = 1000, 64
    B, L = 16384, 50
    action = jax.random.randint(ks[0], (B, L), 0, num_actions, dtype=jnp.int32)
    table = jax.random.normal(ks[1], (num_actions, D), dtype=jnp.float32) * 0.02
    W1 = jax.random.normal(ks[2], (D, D), dtype=jnp.float32) * (1.0 / np.sqrt(D))
    b1 = jnp.zeros((D,), dtype=jnp.float32)
    g1 = jnp.ones((D,), dtype=jnp.float32)
    be1 = jnp.zeros((D,), dtype=jnp.float32)
    W2 = jax.random.normal(ks[3], (D, D), dtype=jnp.float32) * (1.0 / np.sqrt(D))
    b2 = jnp.zeros((D,), dtype=jnp.float32)
    g2 = jnp.ones((D,), dtype=jnp.float32)
    be2 = jnp.zeros((D,), dtype=jnp.float32)
    return {"action": action, "table": table, "W1": W1, "b1": b1, "g1": g1, "be1": be1,
            "W2": W2, "b2": b2, "g2": g2, "be2": be2}

def reference(action, table, W1, b1, g1, be1, W2, b2, g2, be2):
    # embedding lookup (SparseCore gather)
    x = jnp.take(table, action, axis=0)
    # transform: Linear -> LayerNorm -> ReLU -> Dropout(eval: identity) -> Linear -> LayerNorm
    x = x @ W1.T + b1
    x = _layer_norm(x, g1, be1)
    x = jax.nn.relu(x)
    x = x @ W2.T + b2
    x = _layer_norm(x, g2, be2)
    return x

if __name__ == "__main__":
    import jax
    _d = setup_inputs()
    print(jax.jit(kernel)(*tuple(_d.values())))

</pallas_src>

<mosaic_0001>
#map = affine_map<(d0, d1) -> (0, 0)>
#map1 = affine_map<(d0, d1) -> (0)>
#map2 = affine_map<(d0, d1) -> (0, 0, 0)>
module attributes {stable_mosaic.version = 14 : i64} {
  func.func @gather(%arg0: i32, %arg1: i32, %arg2: memref<1000x128xf32, #tpu.memory_space<hbm>>, %arg3: memref<819200xi32, #tpu.memory_space<hbm>>, %arg4: memref<16384x56x128xf32, #tpu.memory_space<hbm>>, %arg5: memref<25600xi32, #tpu.memory_space<vmem>>, %arg6: memref<2x200x128xf32, #tpu.memory_space<vmem>>, %arg7: memref<1000x128xf32, #tpu.memory_space<vmem_shared>>, %arg8: memref<!tpu.dma_semaphore, #tpu.memory_space<semaphore_mem>>) attributes {dimension_semantics = [#tpu.dimension_semantics<core_parallel>, #tpu.dimension_semantics<subcore_parallel>], iteration_bounds = array<i64: 2, 16>, scalar_prefetch = 0 : i64, scratch_operands = 4 : i64, tpu.core_type = #tpu.core_type<sc_vector_subcore>, window_params = [{transform_indices = #map}, {transform_indices = #map1}, {transform_indices = #map2}]} {
    %mul3A = arith.constant 2 : i32
    %mul3A_0 = arith.muli %arg1, %mul3A : i32
    %add3A = arith.addi %mul3A_0, %arg0 : i32
    %mul3A_1 = arith.constant 512 : i32
    %mul3A_2 = arith.muli %add3A, %mul3A_1 : i32
    %eq3A = arith.constant 0 : i32
    %eq3A_3 = arith.cmpi eq, %arg1, %eq3A : i32
    %convert_element_type3A = arith.extui %eq3A_3 : i1 to i32
    %cond3A = arith.constant 0 : i32
    %cond3A_4 = arith.cmpi ne, %convert_element_type3A, %cond3A : i32
    scf.if %cond3A_4 {
      "tpu.region"() ({
        %run_scoped3A = tpu.sem_alloc : memref<!tpu.dma_semaphore, #tpu.memory_space<semaphore_mem>>
        tpu.enqueue_dma source(%arg2 : memref<1000x128xf32, #tpu.memory_space<hbm>>) target(%arg7 : memref<1000x128xf32, #tpu.memory_space<vmem_shared>>) target_semaphore(%run_scoped3A : memref<!tpu.dma_semaphore, #tpu.memory_space<semaphore_mem>>)
        tpu.wait_dma2 semaphore(%run_scoped3A : memref<!tpu.dma_semaphore, #tpu.memory_space<semaphore_mem>>) src(%arg2 : memref<1000x128xf32, #tpu.memory_space<hbm>>) dst(%arg7 : memref<1000x128xf32, #tpu.memory_space<vmem_shared>>)
        tpu.yield
      }) : () -> ()
    } else {
    }
    %mul3A_5 = arith.constant 25600 : i32
    %mul3A_6 = arith.muli %add3A, %mul3A_5 : i32
    "tpu.region"() ({
      %run_scoped3A = tpu.sem_alloc : memref<!tpu.dma_semaphore, #tpu.memory_space<semaphore_mem>>
      %dma_start3A = tpu.memref_slice %arg3[%mul3A_6] : memref<819200xi32, #tpu.memory_space<hbm>> -> memref<25600xi32, #tpu.memory_space<hbm>>
      %dma_start3A_12 = tpu.memref_slice %arg3[%mul3A_6] : memref<819200xi32, #tpu.memory_space<hbm>> -> memref<25600xi32, #tpu.memory_space<hbm>>
      tpu.enqueue_dma source(%dma_start3A_12 : memref<25600xi32, #tpu.memory_space<hbm>>) target(%arg5 : memref<25600xi32, #tpu.memory_space<vmem>>) target_semaphore(%run_scoped3A : memref<!tpu.dma_semaphore, #tpu.memory_space<semaphore_mem>>)
      %dma_wait3A = tpu.memref_slice %arg3[%mul3A_6] : memref<819200xi32, #tpu.memory_space<hbm>> -> memref<25600xi32, #tpu.memory_space<hbm>>
      %dma_wait3A_13 = tpu.memref_slice %arg3[%mul3A_6] : memref<819200xi32, #tpu.memory_space<hbm>> -> memref<25600xi32, #tpu.memory_space<hbm>>
      tpu.wait_dma2 semaphore(%run_scoped3A : memref<!tpu.dma_semaphore, #tpu.memory_space<semaphore_mem>>) src(%dma_wait3A_13 : memref<25600xi32, #tpu.memory_space<hbm>>) dst(%arg5 : memref<25600xi32, #tpu.memory_space<vmem>>)
      tpu.yield
    }) : () -> ()
    %barrier3A = arith.constant 0 : index
    tpu.barrier barrier_id(%barrier3A)
    %scan3A = arith.constant 0 : i32
    %scan3A_7 = arith.constant 0 : i32
    %scan3A_8 = arith.constant 32 : i32
    %scan3A_9 = arith.addi %scan3A_7, %scan3A_8 : i32
    %scan3A_10 = arith.constant 1 : i32
    scf.for %scan3A_12 = %scan3A_7 to %scan3A_9 step %scan3A_10  : i32 {
      %mul3A_13 = arith.constant 4 : i32
      %mul3A_14 = arith.muli %scan3A_12, %mul3A_13 : i32
      %mul3A_15 = arith.constant 200 : i32
      %mul3A_16 = arith.muli %mul3A_14, %mul3A_15 : i32
      %dma_start3A = arith.constant 0 : i32
      %dma_start3A_17 = arith.constant 0 : i32
      %dma_start3A_18 = arith.constant 0 : i32
      %dma_start3A_19 = tpu.memref_slice %arg6[%dma_start3A, %dma_start3A_17, %dma_start3A_18] : memref<2x200x128xf32, #tpu.memory_space<vmem>> -> memref<1x200x128xf32, #tpu.memory_space<vmem>>
      %dma_start3A_20 = tpu.memref_squeeze %dma_start3A_19 : memref<1x200x128xf32, #tpu.memory_space<vmem>> -> memref<200x128xf32, #tpu.memory_space<vmem>>
      %dma_start3A_21 = tpu.memref_slice %arg5[%mul3A_16] : memref<25600xi32, #tpu.memory_space<vmem>> -> memref<200xi32, #tpu.memory_space<vmem>>
      %dma_start3A_22 = arith.constant 0 : i32
      %dma_start3A_23 = arith.constant 0 : i32
      %dma_start3A_24 = tpu.memref_slice %arg7[%dma_start3A_22, %dma_start3A_23] : memref<1000x128xf32, #tpu.memory_space<vmem_shared>> -> memref<1000x128xf32, #tpu.memory_space<vmem_shared>>
      tpu.enqueue_indirect_dma source(%dma_start3A_24 : memref<1000x128xf32, #tpu.memory_space<vmem_shared>>) target(%dma_start3A_20 : memref<200x128xf32, #tpu.memory_space<vmem>>) offsets(%dma_start3A_21 : memref<200xi32, #tpu.memory_space<vmem>>) semaphore(%arg8 : memref<!tpu.dma_semaphore, #tpu.memory_space<semaphore_mem>>)
      %add3A_25 = arith.constant 0 : i32
      %add3A_26 = arith.addi %mul3A_14, %add3A_25 : i32
      %dma_wait3A = arith.constant 0 : i32
      %dma_wait3A_27 = arith.constant 0 : i32
      %dma_wait3A_28 = arith.constant 0 : i32
      %dma_wait3A_29 = tpu.memref_slice %arg6[%dma_wait3A, %dma_wait3A_27, %dma_wait3A_28] : memref<2x200x128xf32, #tpu.memory_space<vmem>> -> memref<1x200x128xf32, #tpu.memory_space<vmem>>
      %dma_wait3A_30 = tpu.memref_squeeze %dma_wait3A_29 : memref<1x200x128xf32, #tpu.memory_space<vmem>> -> memref<200x128xf32, #tpu.memory_space<vmem>>
      %dma_wait3A_31 = tpu.memref_slice %arg5[%mul3A_16] : memref<25600xi32, #tpu.memory_space<vmem>> -> memref<200xi32, #tpu.memory_space<vmem>>
      %dma_wait3A_32 = arith.constant 0 : i32
      %dma_wait3A_33 = arith.constant 0 : i32
      %dma_wait3A_34 = tpu.memref_slice %arg7[%dma_wait3A_32, %dma_wait3A_33] : memref<1000x128xf32, #tpu.memory_space<vmem_shared>> -> memref<1000x128xf32, #tpu.memory_space<vmem_shared>>
      tpu.wait_indirect_dma semaphore(%arg8 : memref<!tpu.dma_semaphore, #tpu.memory_space<semaphore_mem>>) src(%dma_wait3A_34 : memref<1000x128xf32, #tpu.memory_space<vmem_shared>>) dst(%dma_wait3A_30 : memref<200x128xf32, #tpu.memory_space<vmem>>)
      %add3A_35 = arith.constant 0 : i32
      %add3A_36 = arith.addi %mul3A_14, %add3A_35 : i32
      %add3A_37 = arith.constant 1 : i32
      %add3A_38 = arith.addi %add3A_36, %add3A_37 : i32
      %mul3A_39 = arith.constant 200 : i32
      %mul3A_40 = arith.muli %add3A_38, %mul3A_39 : i32
      %dma_start3A_41 = arith.constant 1 : i32
      %dma_start3A_42 = arith.constant 0 : i32
      %dma_start3A_43 = arith.constant 0 : i32
      %dma_start3A_44 = tpu.memref_slice %arg6[%dma_start3A_41, %dma_start3A_42, %dma_start3A_43] : memref<2x200x128xf32, #tpu.memory_space<vmem>> -> memref<1x200x128xf32, #tpu.memory_space<vmem>>
      %dma_start3A_45 = tpu.memref_squeeze %dma_start3A_44 : memref<1x200x128xf32, #tpu.memory_space<vmem>> -> memref<200x128xf32, #tpu.memory_space<vmem>>
      %dma_start3A_46 = tpu.memref_slice %arg5[%mul3A_40] : memref<25600xi32, #tpu.memory_space<vmem>> -> memref<200xi32, #tpu.memory_space<vmem>>
      %dma_start3A_47 = arith.constant 0 : i32
      %dma_start3A_48 = arith.constant 0 : i32
      %dma_start3A_49 = tpu.memref_slice %arg7[%dma_start3A_47, %dma_start3A_48] : memref<1000x128xf32, #tpu.memory_space<vmem_shared>> -> memref<1000x128xf32, #tpu.memory_space<vmem_shared>>
      tpu.enqueue_indirect_dma source(%dma_start3A_49 : memref<1000x128xf32, #tpu.memory_space<vmem_shared>>) target(%dma_start3A_45 : memref<200x128xf32, #tpu.memory_space<vmem>>) offsets(%dma_start3A_46 : memref<200xi32, #tpu.memory_space<vmem>>) semaphore(%arg8 : memref<!tpu.dma_semaphore, #tpu.memory_space<semaphore_mem>>)
      %mul3A_50 = arith.constant 4 : i32
      %mul3A_51 = arith.muli %add3A_26, %mul3A_50 : i32
      %add3A_52 = arith.addi %mul3A_2, %mul3A_51 : i32
      %add3A_53 = arith.constant 0 : i32
      %add3A_54 = arith.addi %add3A_52, %add3A_53 : i32
      %run_scoped3A = arith.constant 0 : i32
      "tpu.region"() ({
        %run_scoped3A_208 = tpu.sem_alloc : memref<!tpu.dma_semaphore, #tpu.memory_space<semaphore_mem>>
        %dma_start3A_209 = arith.constant 0 : i32
        %dma_start3A_210 = arith.constant 0 : i32
        %dma_start3A_211 = tpu.memref_slice %arg6[%run_scoped3A, %dma_start3A_209, %dma_start3A_210] : memref<2x200x128xf32, #tpu.memory_space<vmem>> -> memref<1x50x64xf32, #tpu.memory_space<vmem>>
        %dma_start3A_212 = tpu.memref_squeeze %dma_start3A_211 : memref<1x50x64xf32, #tpu.memory_space<vmem>> -> memref<50x64xf32, #tpu.memory_space<vmem>>
        %dma_start3A_213 = arith.constant 0 : i32
        %dma_start3A_214 = arith.constant 0 : i32
        %dma_start3A_215 = tpu.memref_slice %arg4[%add3A_54, %dma_start3A_213, %dma_start3A_214] : memref<16384x56x128xf32, #tpu.memory_space<hbm>> -> memref<1x50x64xf32, #tpu.memory_space<hbm>>
        %dma_start3A_216 = tpu.memref_squeeze %dma_start3A_215 : memref<1x50x64xf32, #tpu.memory_space<hbm>> -> memref<50x64xf32, #tpu.memory_space<hbm>>
        %dma_start3A_217 = arith.constant 0 : i32
        %dma_start3A_218 = arith.constant 0 : i32
        %dma_start3A_219 = tpu.memref_slice %arg4[%add3A_54, %dma_start3A_217, %dma_start3A_218] : memref<16384x56x128xf32, #tpu.memory_space<hbm>> -> memref<1x50x64xf32, #tpu.memory_space<hbm>>
        %dma_start3A_220 = tpu.memref_squeeze %dma_start3A_219 : memref<1x50x64xf32, #tpu.memory_space<hbm>> -> memref<50x64xf32, #tpu.memory_space<hbm>>
        %dma_start3A_221 = arith.constant 0 : i32
        %dma_start3A_222 = arith.constant 0 : i32
        %dma_start3A_223 = tpu.memref_slice %arg6[%run_scoped3A, %dma_start3A_221, %dma_start3A_222] : memref<2x200x128xf32, #tpu.memory_space<vmem>> -> memref<1x50x64xf32, #tpu.memory_space<vmem>>
        %dma_start3A_224 = tpu.memref_squeeze %dma_start3A_223 : memref<1x50x64xf32, #tpu.memory_space<vmem>> -> memref<50x64xf32, #tpu.memory_space<vmem>>
        tpu.enqueue_dma source(%dma_start3A_224 : memref<50x64xf32, #tpu.memory_space<vmem>>) target(%dma_start3A_220 : memref<50x64xf32, #tpu.memory_space<hbm>>) target_semaphore(%run_scoped3A_208 : memref<!tpu.dma_semaphore, #tpu.memory_space<semaphore_mem>>)
        %dma_wait3A_225 = arith.constant 0 : i32
        %dma_wait3A_226 = arith.constant 0 : i32
        %dma_wait3A_227 = tpu.memref_slice %arg6[%run_scoped3A, %dma_wait3A_225, %dma_wait3A_226] : memref<2x200x128xf32, #tpu.memory_space<vmem>> -> memref<1x50x64xf32, #tpu.memory_space<vmem>>
        %dma_wait3A_228 = tpu.memref_squeeze %dma_wait3A_227 : memref<1x50x64xf32, #tpu.memory_space<vmem>> -> memref<50x64xf32, #tpu.memory_space<vmem>>
        %dma_wait3A_229 = arith.constant 0 : i32
        %dma_wait3A_230 = arith.constant 0 : i32
        %dma_wait3A_231 = tpu.memref_slice %arg4[%add3A_54, %dma_wait3A_229, %dma_wait3A_230] : memref<16384x56x128xf32, #tpu.memory_space<hbm>> -> memref<1x50x64xf32, #tpu.memory_space<hbm>>
        %dma_wait3A_232 = tpu.memref_squeeze %dma_wait3A_231 : memref<1x50x64xf32, #tpu.memory_space<hbm>> -> memref<50x64xf32, #tpu.memory_space<hbm>>
        %dma_wait3A_233 = arith.constant 0 : i32
        %dma_wait3A_234 = arith.constant 0 : i32
        %dma_wait3A_235 = tpu.memref_slice %arg4[%add3A_54, %dma_wait3A_233, %dma_wait3A_234] : memref<16384x56x128xf32, #tpu.memory_space<hbm>> -> memref<1x50x64xf32, #tpu.memory_space<hbm>>
        %dma_wait3A_236 = tpu.memref_squeeze %dma_wait3A_235 : memref<1x50x64xf32, #tpu.memory_space<hbm>> -> memref<50x64xf32, #tpu.memory_space<hbm>>
        %dma_wait3A_237 = arith.constant 0 : i32
        %dma_wait3A_238 = arith.constant 0 : i32
        %dma_wait3A_239 = tpu.memref_slice %arg6[%run_scoped3A, %dma_wait3A_237, %dma_wait3A_238] : memref<2x200x128xf32, #tpu.memory_space<vmem>> -> memref<1x50x64xf32, #tpu.memory_space<vmem>>
        %dma_wait3A_240 = tpu.memref_squeeze %dma_wait3A_239 : memref<1x50x64xf32, #tpu.memory_space<vmem>> -> memref<50x64xf32, #tpu.memory_space<vmem>>
        tpu.wait_dma2 semaphore(%run_scoped3A_208 : memref<!tpu.dma_semaphore, #tpu.memory_space<semaphore_mem>>) src(%dma_wait3A_240 : memref<50x64xf32, #tpu.memory_space<vmem>>) dst(%dma_wait3A_236 : memref<50x64xf32, #tpu.memory_space<hbm>>)
        tpu.yield
      }) : () -> ()
      %mul3A_55 = arith.constant 4 : i32
      %mul3A_56 = arith.muli %add3A_26, %mul3A_55 : i32
      %add3A_57 = arith.addi %mul3A_2, %mul3A_56 : i32
      %add3A_58 = arith.constant 1 : i32
      %add3A_59 = arith.addi %add3A_57, %add3A_58 : i32
      %run_scoped3A_60 = arith.constant 0 : i32
      "tpu.region"() ({
        %run_scoped3A_208 = tpu.sem_alloc : memref<!tpu.dma_semaphore, #tpu.memory_space<semaphore_mem>>
        %dma_start3A_209 = arith.constant 50 : i32
        %dma_start3A_210 = arith.constant 0 : i32
        %dma_start3A_211 = tpu.memref_slice %arg6[%run_scoped3A_60, %dma_start3A_209, %dma_start3A_210] : memref<2x200x128xf32, #tpu.memory_space<vmem>> -> memref<1x50x64xf32, #tpu.memory_space<vmem>>
        %dma_start3A_212 = tpu.memref_squeeze %dma_start3A_211 : memref<1x50x64xf32, #tpu.memory_space<vmem>> -> memref<50x64xf32, #tpu.memory_space<vmem>>
        %dma_start3A_213 = arith.constant 0 : i32
        %dma_start3A_214 = arith.constant 0 : i32
        %dma_start3A_215 = tpu.memref_slice %arg4[%add3A_59, %dma_start3A_213, %dma_start3A_214] : memref<16384x56x128xf32, #tpu.memory_space<hbm>> -> memref<1x50x64xf32, #tpu.memory_space<hbm>>
        %dma_start3A_216 = tpu.memref_squeeze %dma_start3A_215 : memref<1x50x64xf32, #tpu.memory_space<hbm>> -> memref<50x64xf32, #tpu.memory_space<hbm>>
        %dma_start3A_217 = arith.constant 0 : i32
        %dma_start3A_218 = arith.constant 0 : i32
        %dma_start3A_219 = tpu.memref_slice %arg4[%add3A_59, %dma_start3A_217, %dma_start3A_218] : memref<16384x56x128xf32, #tpu.memory_space<hbm>> -> memref<1x50x64xf32, #tpu.memory_space<hbm>>
        %dma_start3A_220 = tpu.memref_squeeze %dma_start3A_219 : memref<1x50x64xf32, #tpu.memory_space<hbm>> -> memref<50x64xf32, #tpu.memory_space<hbm>>
        %dma_start3A_221 = arith.constant 50 : i32
        %dma_start3A_222 = arith.constant 0 : i32
        %dma_start3A_223 = tpu.memref_slice %arg6[%run_scoped3A_60, %dma_start3A_221, %dma_start3A_222] : memref<2x200x128xf32, #tpu.memory_space<vmem>> -> memref<1x50x64xf32, #tpu.memory_space<vmem>>
        %dma_start3A_224 = tpu.memref_squeeze %dma_start3A_223 : memref<1x50x64xf32, #tpu.memory_space<vmem>> -> memref<50x64xf32, #tpu.memory_space<vmem>>
        tpu.enqueue_dma source(%dma_start3A_224 : memref<50x64xf32, #tpu.memory_space<vmem>>) target(%dma_start3A_220 : memref<50x64xf32, #tpu.memory_space<hbm>>) target_semaphore(%run_scoped3A_208 : memref<!tpu.dma_semaphore, #tpu.memory_space<semaphore_mem>>)
        %dma_wait3A_225 = arith.constant 50 : i32
        %dma_wait3A_226 = arith.constant 0 : i32
        %dma_wait3A_227 = tpu.memref_slice %arg6[%run_scoped3A_60, %dma_wait3A_225, %dma_wait3A_226] : memref<2x200x128xf32, #tpu.memory_space<vmem>> -> memref<1x50x64xf32, #tpu.memory_space<vmem>>
        %dma_wait3A_228 = tpu.memref_squeeze %dma_wait3A_227 : memref<1x50x64xf32, #tpu.memory_space<vmem>> -> memref<50x64xf32, #tpu.memory_space<vmem>>
        %dma_wait3A_229 = arith.constant 0 : i32
        %dma_wait3A_230 = arith.constant 0 : i32
        %dma_wait3A_231 = tpu.memref_slice %arg4[%add3A_59, %dma_wait3A_229, %dma_wait3A_230] : memref<16384x56x128xf32, #tpu.memory_space<hbm>> -> memref<1x50x64xf32, #tpu.memory_space<hbm>>
        %dma_wait3A_232 = tpu.memref_squeeze %dma_wait3A_231 : memref<1x50x64xf32, #tpu.memory_space<hbm>> -> memref<50x64xf32, #tpu.memory_space<hbm>>
        %dma_wait3A_233 = arith.constant 0 : i32
        %dma_wait3A_234 = arith.constant 0 : i32
        %dma_wait3A_235 = tpu.memref_slice %arg4[%add3A_59, %dma_wait3A_233, %dma_wait3A_234] : memref<16384x56x128xf32, #tpu.memory_space<hbm>> -> memref<1x50x64xf32, #tpu.memory_space<hbm>>
        %dma_wait3A_236 = tpu.memref_squeeze %dma_wait3A_235 : memref<1x50x64xf32, #tpu.memory_space<hbm>> -> memref<50x64xf32, #tpu.memory_space<hbm>>
        %dma_wait3A_237 = arith.constant 50 : i32
        %dma_wait3A_238 = arith.constant 0 : i32
        %dma_wait3A_239 = tpu.memref_slice %arg6[%run_scoped3A_60, %dma_wait3A_237, %dma_wait3A_238] : memref<2x200x128xf32, #tpu.memory_space<vmem>> -> memref<1x50x64xf32, #tpu.memory_space<vmem>>
        %dma_wait3A_240 = tpu.memref_squeeze %dma_wait3A_239 : memref<1x50x64xf32, #tpu.memory_space<vmem>> -> memref<50x64xf32, #tpu.memory_space<vmem>>
        tpu.wait_dma2 semaphore(%run_scoped3A_208 : memref<!tpu.dma_semaphore, #tpu.memory_space<semaphore_mem>>) src(%dma_wait3A_240 : memref<50x64xf32, #tpu.memory_space<vmem>>) dst(%dma_wait3A_236 : memref<50x64xf32, #tpu.memory_space<hbm>>)
        tpu.yield
      }) : () -> ()
      %mul3A_61 = arith.constant 4 : i32
      %mul3A_62 = arith.muli %add3A_26, %mul3A_61 : i32
      %add3A_63 = arith.addi %mul3A_2, %mul3A_62 : i32
      %add3A_64 = arith.constant 2 : i32
      %add3A_65 = arith.addi %add3A_63, %add3A_64 : i32
      %run_scoped3A_66 = arith.constant 0 : i32
      "tpu.region"() ({
        %run_scoped3A_208 = tpu.sem_alloc : memref<!tpu.dma_semaphore, #tpu.memory_space<semaphore_mem>>
        %dma_start3A_209 = arith.constant 100 : i32
        %dma_start3A_210 = arith.constant 0 : i32
        %dma_start3A_211 = tpu.memref_slice %arg6[%run_scoped3A_66, %dma_start3A_209, %dma_start3A_210] : memref<2x200x128xf32, #tpu.memory_space<vmem>> -> memref<1x50x64xf32, #tpu.memory_space<vmem>>
        %dma_start3A_212 = tpu.memref_squeeze %dma_start3A_211 : memref<1x50x64xf32, #tpu.memory_space<vmem>> -> memref<50x64xf32, #tpu.memory_space<vmem>>
        %dma_start3A_213 = arith.constant 0 : i32
        %dma_start3A_214 = arith.constant 0 : i32
        %dma_start3A_215 = tpu.memref_slice %arg4[%add3A_65, %dma_start3A_213, %dma_start3A_214] : memref<16384x56x128xf32, #tpu.memory_space<hbm>> -> memref<1x50x64xf32, #tpu.memory_space<hbm>>
        %dma_start3A_216 = tpu.memref_squeeze %dma_start3A_215 : memref<1x50x64xf32, #tpu.memory_space<hbm>> -> memref<50x64xf32, #tpu.memory_space<hbm>>
        %dma_start3A_217 = arith.constant 0 : i32
        %dma_start3A_218 = arith.constant 0 : i32
        %dma_start3A_219 = tpu.memref_slice %arg4[%add3A_65, %dma_start3A_217, %dma_start3A_218] : memref<16384x56x128xf32, #tpu.memory_space<hbm>> -> memref<1x50x64xf32, #tpu.memory_space<hbm>>
        %dma_start3A_220 = tpu.memref_squeeze %dma_start3A_219 : memref<1x50x64xf32, #tpu.memory_space<hbm>> -> memref<50x64xf32, #tpu.memory_space<hbm>>
        %dma_start3A_221 = arith.constant 100 : i32
        %dma_start3A_222 = arith.constant 0 : i32
        %dma_start3A_223 = tpu.memref_slice %arg6[%run_scoped3A_66, %dma_start3A_221, %dma_start3A_222] : memref<2x200x128xf32, #tpu.memory_space<vmem>> -> memref<1x50x64xf32, #tpu.memory_space<vmem>>
        %dma_start3A_224 = tpu.memref_squeeze %dma_start3A_223 : memref<1x50x64xf32, #tpu.memory_space<vmem>> -> memref<50x64xf32, #tpu.memory_space<vmem>>
        tpu.enqueue_dma source(%dma_start3A_224 : memref<50x64xf32, #tpu.memory_space<vmem>>) target(%dma_start3A_220 : memref<50x64xf32, #tpu.memory_space<hbm>>) target_semaphore(%run_scoped3A_208 : memref<!tpu.dma_semaphore, #tpu.memory_space<semaphore_mem>>)
        %dma_wait3A_225 = arith.constant 100 : i32
        %dma_wait3A_226 = arith.constant 0 : i32
        %dma_wait3A_227 = tpu.memref_slice %arg6[%run_scoped3A_66, %dma_wait3A_225, %dma_wait3A_226] : memref<2x200x128xf32, #tpu.memory_space<vmem>> -> memref<1x50x64xf32, #tpu.memory_space<vmem>>
        %dma_wait3A_228 = tpu.memref_squeeze %dma_wait3A_227 : memref<1x50x64xf32, #tpu.memory_space<vmem>> -> memref<50x64xf32, #tpu.memory_space<vmem>>
        %dma_wait3A_229 = arith.constant 0 : i32
        %dma_wait3A_230 = arith.constant 0 : i32
        %dma_wait3A_231 = tpu.memref_slice %arg4[%add3A_65, %dma_wait3A_229, %dma_wait3A_230] : memref<16384x56x128xf32, #tpu.memory_space<hbm>> -> memref<1x50x64xf32, #tpu.memory_space<hbm>>
        %dma_wait3A_232 = tpu.memref_squeeze %dma_wait3A_231 : memref<1x50x64xf32, #tpu.memory_space<hbm>> -> memref<50x64xf32, #tpu.memory_space<hbm>>
        %dma_wait3A_233 = arith.constant 0 : i32
        %dma_wait3A_234 = arith.constant 0 : i32
        %dma_wait3A_235 = tpu.memref_slice %arg4[%add3A_65, %dma_wait3A_233, %dma_wait3A_234] : memref<16384x56x128xf32, #tpu.memory_space<hbm>> -> memref<1x50x64xf32, #tpu.memory_space<hbm>>
        %dma_wait3A_236 = tpu.memref_squeeze %dma_wait3A_235 : memref<1x50x64xf32, #tpu.memory_space<hbm>> -> memref<50x64xf32, #tpu.memory_space<hbm>>
        %dma_wait3A_237 = arith.constant 100 : i32
        %dma_wait3A_238 = arith.constant 0 : i32
        %dma_wait3A_239 = tpu.memref_slice %arg6[%run_scoped3A_66, %dma_wait3A_237, %dma_wait3A_238] : memref<2x200x128xf32, #tpu.memory_space<vmem>> -> memref<1x50x64xf32, #tpu.memory_space<vmem>>
        %dma_wait3A_240 = tpu.memref_squeeze %dma_wait3A_239 : memref<1x50x64xf32, #tpu.memory_space<vmem>> -> memref<50x64xf32, #tpu.memory_space<vmem>>
        tpu.wait_dma2 semaphore(%run_scoped3A_208 : memref<!tpu.dma_semaphore, #tpu.memory_space<semaphore_mem>>) src(%dma_wait3A_240 : memref<50x64xf32, #tpu.memory_space<vmem>>) dst(%dma_wait3A_236 : memref<50x64xf32, #tpu.memory_space<hbm>>)
        tpu.yield
      }) : () -> ()
      %mul3A_67 = arith.constant 4 : i32
      %mul3A_68 = arith.muli %add3A_26, %mul3A_67 : i32
      %add3A_69 = arith.addi %mul3A_2, %mul3A_68 : i32
      %add3A_70 = arith.constant 3 : i32
      %add3A_71 = arith.addi %add3A_69, %add3A_70 : i32
      %run_scoped3A_72 = arith.constant 0 : i32
      "tpu.region"() ({
        %run_scoped3A_208 = tpu.sem_alloc : memref<!tpu.dma_semaphore, #tpu.memory_space<semaphore_mem>>
        %dma_start3A_209 = arith.constant 150 : i32
        %dma_start3A_210 = arith.constant 0 : i32
        %dma_start3A_211 = tpu.memref_slice %arg6[%run_scoped3A_72, %dma_start3A_209, %dma_start3A_210] : memref<2x200x128xf32, #tpu.memory_space<vmem>> -> memref<1x50x64xf32, #tpu.memory_space<vmem>>
        %dma_start3A_212 = tpu.memref_squeeze %dma_start3A_211 : memref<1x50x64xf32, #tpu.memory_space<vmem>> -> memref<50x64xf32, #tpu.memory_space<vmem>>
        %dma_start3A_213 = arith.constant 0 : i32
        %dma_start3A_214 = arith.constant 0 : i32
        %dma_start3A_215 = tpu.memref_slice %arg4[%add3A_71, %dma_start3A_213, %dma_start3A_214] : memref<16384x56x128xf32, #tpu.memory_space<hbm>> -> memref<1x50x64xf32, #tpu.memory_space<hbm>>
        %dma_start3A_216 = tpu.memref_squeeze %dma_start3A_215 : memref<1x50x64xf32, #tpu.memory_space<hbm>> -> memref<50x64xf32, #tpu.memory_space<hbm>>
        %dma_start3A_217 = arith.constant 0 : i32
        %dma_start3A_218 = arith.constant 0 : i32
        %dma_start3A_219 = tpu.memref_slice %arg4[%add3A_71, %dma_start3A_217, %dma_start3A_218] : memref<16384x56x128xf32, #tpu.memory_space<hbm>> -> memref<1x50x64xf32, #tpu.memory_space<hbm>>
        %dma_start3A_220 = tpu.memref_squeeze %dma_start3A_219 : memref<1x50x64xf32, #tpu.memory_space<hbm>> -> memref<50x64xf32, #tpu.memory_space<hbm>>
        %dma_start3A_221 = arith.constant 150 : i32
        %dma_start3A_222 = arith.constant 0 : i32
        %dma_start3A_223 = tpu.memref_slice %arg6[%run_scoped3A_72, %dma_start3A_221, %dma_start3A_222] : memref<2x200x128xf32, #tpu.memory_space<vmem>> -> memref<1x50x64xf32, #tpu.memory_space<vmem>>
        %dma_start3A_224 = tpu.memref_squeeze %dma_start3A_223 : memref<1x50x64xf32, #tpu.memory_space<vmem>> -> memref<50x64xf32, #tpu.memory_space<vmem>>
        tpu.enqueue_dma source(%dma_start3A_224 : memref<50x64xf32, #tpu.memory_space<vmem>>) target(%dma_start3A_220 : memref<50x64xf32, #tpu.memory_space<hbm>>) target_semaphore(%run_scoped3A_208 : memref<!tpu.dma_semaphore, #tpu.memory_space<semaphore_mem>>)
        %dma_wait3A_225 = arith.constant 150 : i32
        %dma_wait3A_226 = arith.constant 0 : i32
        %dma_wait3A_227 = tpu.memref_slice %arg6[%run_scoped3A_72, %dma_wait3A_225, %dma_wait3A_226] : memref<2x200x128xf32, #tpu.memory_space<vmem>> -> memref<1x50x64xf32, #tpu.memory_space<vmem>>
        %dma_wait3A_228 = tpu.memref_squeeze %dma_wait3A_227 : memref<1x50x64xf32, #tpu.memory_space<vmem>> -> memref<50x64xf32, #tpu.memory_space<vmem>>
        %dma_wait3A_229 = arith.constant 0 : i32
        %dma_wait3A_230 = arith.constant 0 : i32
        %dma_wait3A_231 = tpu.memref_slice %arg4[%add3A_71, %dma_wait3A_229, %dma_wait3A_230] : memref<16384x56x128xf32, #tpu.memory_space<hbm>> -> memref<1x50x64xf32, #tpu.memory_space<hbm>>
        %dma_wait3A_232 = tpu.memref_squeeze %dma_wait3A_231 : memref<1x50x64xf32, #tpu.memory_space<hbm>> -> memref<50x64xf32, #tpu.memory_space<hbm>>
        %dma_wait3A_233 = arith.constant 0 : i32
        %dma_wait3A_234 = arith.constant 0 : i32
        %dma_wait3A_235 = tpu.memref_slice %arg4[%add3A_71, %dma_wait3A_233, %dma_wait3A_234] : memref<16384x56x128xf32, #tpu.memory_space<hbm>> -> memref<1x50x64xf32, #tpu.memory_space<hbm>>
        %dma_wait3A_236 = tpu.memref_squeeze %dma_wait3A_235 : memref<1x50x64xf32, #tpu.memory_space<hbm>> -> memref<50x64xf32, #tpu.memory_space<hbm>>
        %dma_wait3A_237 = arith.constant 150 : i32
        %dma_wait3A_238 = arith.constant 0 : i32
        %dma_wait3A_239 = tpu.memref_slice %arg6[%run_scoped3A_72, %dma_wait3A_237, %dma_wait3A_238] : memref<2x200x128xf32, #tpu.memory_space<vmem>> -> memref<1x50x64xf32, #tpu.memory_space<vmem>>
        %dma_wait3A_240 = tpu.memref_squeeze %dma_wait3A_239 : memref<1x50x64xf32, #tpu.memory_space<vmem>> -> memref<50x64xf32, #tpu.memory_space<vmem>>
        tpu.wait_dma2 semaphore(%run_scoped3A_208 : memref<!tpu.dma_semaphore, #tpu.memory_space<semaphore_mem>>) src(%dma_wait3A_240 : memref<50x64xf32, #tpu.memory_space<vmem>>) dst(%dma_wait3A_236 : memref<50x64xf32, #tpu.memory_space<hbm>>)
        tpu.yield
      }) : () -> ()
      %add3A_73 = arith.constant 1 : i32
      %add3A_74 = arith.addi %mul3A_14, %add3A_73 : i32
      %dma_wait3A_75 = arith.constant 1 : i32
      %dma_wait3A_76 = arith.constant 0 : i32
      %dma_wait3A_77 = arith.constant 0 : i32
      %dma_wait3A_78 = tpu.memref_slice %arg6[%dma_wait3A_75, %dma_wait3A_76, %dma_wait3A_77] : memref<2x200x128xf32, #tpu.memory_space<vmem>> -> memref<1x200x128xf32, #tpu.memory_space<vmem>>
      %dma_wait3A_79 = tpu.memref_squeeze %dma_wait3A_78 : memref<1x200x128xf32, #tpu.memory_space<vmem>> -> memref<200x128xf32, #tpu.memory_space<vmem>>
      %dma_wait3A_80 = tpu.memref_slice %arg5[%mul3A_40] : memref<25600xi32, #tpu.memory_space<vmem>> -> memref<200xi32, #tpu.memory_space<vmem>>
      %dma_wait3A_81 = arith.constant 0 : i32
      %dma_wait3A_82 = arith.constant 0 : i32
      %dma_wait3A_83 = tpu.memref_slice %arg7[%dma_wait3A_81, %dma_wait3A_82] : memref<1000x128xf32, #tpu.memory_space<vmem_shared>> -> memref<1000x128xf32, #tpu.memory_space<vmem_shared>>
      tpu.wait_indirect_dma semaphore(%arg8 : memref<!tpu.dma_semaphore, #tpu.memory_space<semaphore_mem>>) src(%dma_wait3A_83 : memref<1000x128xf32, #tpu.memory_space<vmem_shared>>) dst(%dma_wait3A_79 : memref<200x128xf32, #tpu.memory_space<vmem>>)
      %add3A_84 = arith.constant 1 : i32
      %add3A_85 = arith.addi %mul3A_14, %add3A_84 : i32
      %add3A_86 = arith.constant 1 : i32
      %add3A_87 = arith.addi %add3A_85, %add3A_86 : i32
      %mul3A_88 = arith.constant 200 : i32
      %mul3A_89 = arith.muli %add3A_87, %mul3A_88 : i32
      %dma_start3A_90 = arith.constant 0 : i32
      %dma_start3A_91 = arith.constant 0 : i32
      %dma_start3A_92 = arith.constant 0 : i32
      %dma_start3A_93 = tpu.memref_slice %arg6[%dma_start3A_90, %dma_start3A_91, %dma_start3A_92] : memref<2x200x128xf32, #tpu.memory_space<vmem>> -> memref<1x200x128xf32, #tpu.memory_space<vmem>>
      %dma_start3A_94 = tpu.memref_squeeze %dma_start3A_93 : memref<1x200x128xf32, #tpu.memory_space<vmem>> -> memref<200x128xf32, #tpu.memory_space<vmem>>
      %dma_start3A_95 = tpu.memref_slice %arg5[%mul3A_89] : memref<25600xi32, #tpu.memory_space<vmem>> -> memref<200xi32, #tpu.memory_space<vmem>>
      %dma_start3A_96 = arith.constant 0 : i32
      %dma_start3A_97 = arith.constant 0 : i32
      %dma_start3A_98 = tpu.memref_slice %arg7[%dma_start3A_96, %dma_start3A_97] : memref<1000x128xf32, #tpu.memory_space<vmem_shared>> -> memref<1000x128xf32, #tpu.memory_space<vmem_shared>>
      tpu.enqueue_indirect_dma source(%dma_start3A_98 : memref<1000x128xf32, #tpu.memory_space<vmem_shared>>) target(%dma_start3A_94 : memref<200x128xf32, #tpu.memory_space<vmem>>) offsets(%dma_start3A_95 : memref<200xi32, #tpu.memory_space<vmem>>) semaphore(%arg8 : memref<!tpu.dma_semaphore, #tpu.memory_space<semaphore_mem>>)
      %mul3A_99 = arith.constant 4 : i32
      %mul3A_100 = arith.muli %add3A_74, %mul3A_99 : i32
      %add3A_101 = arith.addi %mul3A_2, %mul3A_100 : i32
      %add3A_102 = arith.constant 0 : i32
      %add3A_103 = arith.addi %add3A_101, %add3A_102 : i32
      %run_scoped3A_104 = arith.constant 1 : i32
      "tpu.region"() ({
        %run_scoped3A_208 = tpu.sem_alloc : memref<!tpu.dma_semaphore, #tpu.memory_space<semaphore_mem>>
        %dma_start3A_209 = arith.constant 0 : i32
        %dma_start3A_210 = arith.constant 0 : i32
        %dma_start3A_211 = tpu.memref_slice %arg6[%run_scoped3A_104, %dma_start3A_209, %dma_start3A_210] : memref<2x200x128xf32, #tpu.memory_space<vmem>> -> memref<1x50x64xf32, #tpu.memory_space<vmem>>
        %dma_start3A_212 = tpu.memref_squeeze %dma_start3A_211 : memref<1x50x64xf32, #tpu.memory_space<vmem>> -> memref<50x64xf32, #tpu.memory_space<vmem>>
        %dma_start3A_213 = arith.constant 0 : i32
        %dma_start3A_214 = arith.constant 0 : i32
        %dma_start3A_215 = tpu.memref_slice %arg4[%add3A_103, %dma_start3A_213, %dma_start3A_214] : memref<16384x56x128xf32, #tpu.memory_space<hbm>> -> memref<1x50x64xf32, #tpu.memory_space<hbm>>
        %dma_start3A_216 = tpu.memref_squeeze %dma_start3A_215 : memref<1x50x64xf32, #tpu.memory_space<hbm>> -> memref<50x64xf32, #tpu.memory_space<hbm>>
        %dma_start3A_217 = arith.constant 0 : i32
        %dma_start3A_218 = arith.constant 0 : i32
        %dma_start3A_219 = tpu.memref_slice %arg4[%add3A_103, %dma_start3A_217, %dma_start3A_218] : memref<16384x56x128xf32, #tpu.memory_space<hbm>> -> memref<1x50x64xf32, #tpu.memory_space<hbm>>
        %dma_start3A_220 = tpu.memref_squeeze %dma_start3A_219 : memref<1x50x64xf32, #tpu.memory_space<hbm>> -> memref<50x64xf32, #tpu.memory_space<hbm>>
        %dma_start3A_221 = arith.constant 0 : i32
        %dma_start3A_222 = arith.constant 0 : i32
        %dma_start3A_223 = tpu.memref_slice %arg6[%run_scoped3A_104, %dma_start3A_221, %dma_start3A_222] : memref<2x200x128xf32, #tpu.memory_space<vmem>> -> memref<1x50x64xf32, #tpu.memory_space<vmem>>
        %dma_start3A_224 = tpu.memref_squeeze %dma_start3A_223 : memref<1x50x64xf32, #tpu.memory_space<vmem>> -> memref<50x64xf32, #tpu.memory_space<vmem>>
        tpu.enqueue_dma source(%dma_start3A_224 : memref<50x64xf32, #tpu.memory_space<vmem>>) target(%dma_start3A_220 : memref<50x64xf32, #tpu.memory_space<hbm>>) target_semaphore(%run_scoped3A_208 : memref<!tpu.dma_semaphore, #tpu.memory_space<semaphore_mem>>)
        %dma_wait3A_225 = arith.constant 0 : i32
        %dma_wait3A_226 = arith.constant 0 : i32
        %dma_wait3A_227 = tpu.memref_slice %arg6[%run_scoped3A_104, %dma_wait3A_225, %dma_wait3A_226] : memref<2x200x128xf32, #tpu.memory_space<vmem>> -> memref<1x50x64xf32, #tpu.memory_space<vmem>>
        %dma_wait3A_228 = tpu.memref_squeeze %dma_wait3A_227 : memref<1x50x64xf32, #tpu.memory_space<vmem>> -> memref<50x64xf32, #tpu.memory_space<vmem>>
        %dma_wait3A_229 = arith.constant 0 : i32
        %dma_wait3A_230 = arith.constant 0 : i32
        %dma_wait3A_231 = tpu.memref_slice %arg4[%add3A_103, %dma_wait3A_229, %dma_wait3A_230] : memref<16384x56x128xf32, #tpu.memory_space<hbm>> -> memref<1x50x64xf32, #tpu.memory_space<hbm>>
        %dma_wait3A_232 = tpu.memref_squeeze %dma_wait3A_231 : memref<1x50x64xf32, #tpu.memory_space<hbm>> -> memref<50x64xf32, #tpu.memory_space<hbm>>
        %dma_wait3A_233 = arith.constant 0 : i32
        %dma_wait3A_234 = arith.constant 0 : i32
        %dma_wait3A_235 = tpu.memref_slice %arg4[%add3A_103, %dma_wait3A_233, %dma_wait3A_234] : memref<16384x56x128xf32, #tpu.memory_space<hbm>> -> memref<1x50x64xf32, #tpu.memory_space<hbm>>
        %dma_wait3A_236 = tpu.memref_squeeze %dma_wait3A_235 : memref<1x50x64xf32, #tpu.memory_space<hbm>> -> memref<50x64xf32, #tpu.memory_space<hbm>>
        %dma_wait3A_237 = arith.constant 0 : i32
        %dma_wait3A_238 = arith.constant 0 : i32
        %dma_wait3A_239 = tpu.memref_slice %arg6[%run_scoped3A_104, %dma_wait3A_237, %dma_wait3A_238] : memref<2x200x128xf32, #tpu.memory_space<vmem>> -> memref<1x50x64xf32, #tpu.memory_space<vmem>>
        %dma_wait3A_240 = tpu.memref_squeeze %dma_wait3A_239 : memref<1x50x64xf32, #tpu.memory_space<vmem>> -> memref<50x64xf32, #tpu.memory_space<vmem>>
        tpu.wait_dma2 semaphore(%run_scoped3A_208 : memref<!tpu.dma_semaphore, #tpu.memory_space<semaphore_mem>>) src(%dma_wait3A_240 : memref<50x64xf32, #tpu.memory_space<vmem>>) dst(%dma_wait3A_236 : memref<50x64xf32, #tpu.memory_space<hbm>>)
        tpu.yield
      }) : () -> ()
      %mul3A_105 = arith.constant 4 : i32
      %mul3A_106 = arith.muli %add3A_74, %mul3A_105 : i32
      %add3A_107 = arith.addi %mul3A_2, %mul3A_106 : i32
      %add3A_108 = arith.constant 1 : i32
      %add3A_109 = arith.addi %add3A_107, %add3A_108 : i32
      %run_scoped3A_110 = arith.constant 1 : i32
      "tpu.region"() ({
        %run_scoped3A_208 = tpu.sem_alloc : memref<!tpu.dma_semaphore, #tpu.memory_space<semaphore_mem>>
        %dma_start3A_209 = arith.constant 50 : i32
        %dma_start3A_210 = arith.constant 0 : i32
        %dma_start3A_211 = tpu.memref_slice %arg6[%run_scoped3A_110, %dma_start3A_209, %dma_start3A_210] : memref<2x200x128xf32, #tpu.memory_space<vmem>> -> memref<1x50x64xf32, #tpu.memory_space<vmem>>
        %dma_start3A_212 = tpu.memref_squeeze %dma_start3A_211 : memref<1x50x64xf32, #tpu.memory_space<vmem>> -> memref<50x64xf32, #tpu.memory_space<vmem>>
        %dma_start3A_213 = arith.constant 0 : i32
        %dma_start3A_214 = arith.constant 0 : i32
        %dma_start3A_215 = tpu.memref_slice %arg4[%add3A_109, %dma_start3A_213, %dma_start3A_214] : memref<16384x56x128xf32, #tpu.memory_space<hbm>> -> memref<1x50x64xf32, #tpu.memory_space<hbm>>
        %dma_start3A_216 = tpu.memref_squeeze %dma_start3A_215 : memref<1x50x64xf32, #tpu.memory_space<hbm>> -> memref<50x64xf32, #tpu.memory_space<hbm>>
        %dma_start3A_217 = arith.constant 0 : i32
        %dma_start3A_218 = arith.constant 0 : i32
        %dma_start3A_219 = tpu.memref_slice %arg4[%add3A_109, %dma_start3A_217, %dma_start3A_218] : memref<16384x56x128xf32, #tpu.memory_space<hbm>> -> memref<1x50x64xf32, #tpu.memory_space<hbm>>
        %dma_start3A_220 = tpu.memref_squeeze %dma_start3A_219 : memref<1x50x64xf32, #tpu.memory_space<hbm>> -> memref<50x64xf32, #tpu.memory_space<hbm>>
        %dma_start3A_221 = arith.constant 50 : i32
        %dma_start3A_222 = arith.constant 0 : i32
        %dma_start3A_223 = tpu.memref_slice %arg6[%run_scoped3A_110, %dma_start3A_221, %dma_start3A_222] : memref<2x200x128xf32, #tpu.memory_space<vmem>> -> memref<1x50x64xf32, #tpu.memory_space<vmem>>
        %dma_start3A_224 = tpu.memref_squeeze %dma_start3A_223 : memref<1x50x64xf32, #tpu.memory_space<vmem>> -> memref<50x64xf32, #tpu.memory_space<vmem>>
        tpu.enqueue_dma source(%dma_start3A_224 : memref<50x64xf32, #tpu.memory_space<vmem>>) target(%dma_start3A_220 : memref<50x64xf32, #tpu.memory_space<hbm>>) target_semaphore(%run_scoped3A_208 : memref<!tpu.dma_semaphore, #tpu.memory_space<semaphore_mem>>)
        %dma_wait3A_225 = arith.constant 50 : i32
        %dma_wait3A_226 = arith.constant 0 : i32
        %dma_wait3A_227 = tpu.memref_slice %arg6[%run_scoped3A_110, %dma_wait3A_225, %dma_wait3A_226] : memref<2x200x128xf32, #tpu.memory_space<vmem>> -> memref<1x50x64xf32, #tpu.memory_space<vmem>>
        %dma_wait3A_228 = tpu.memref_squeeze %dma_wait3A_227 : memref<1x50x64xf32, #tpu.memory_space<vmem>> -> memref<50x64xf32, #tpu.memory_space<vmem>>
        %dma_wait3A_229 = arith.constant 0 : i32
        %dma_wait3A_230 = arith.constant 0 : i32
        %dma_wait3A_231 = tpu.memref_slice %arg4[%add3A_109, %dma_wait3A_229, %dma_wait3A_230] : memref<16384x56x128xf32, #tpu.memory_space<hbm>> -> memref<1x50x64xf32, #tpu.memory_space<hbm>>
        %dma_wait3A_232 = tpu.memref_squeeze %dma_wait3A_231 : memref<1x50x64xf32, #tpu.memory_space<hbm>> -> memref<50x64xf32, #tpu.memory_space<hbm>>
        %dma_wait3A_233 = arith.constant 0 : i32
        %dma_wait3A_234 = arith.constant 0 : i32
        %dma_wait3A_235 = tpu.memref_slice %arg4[%add3A_109, %dma_wait3A_233, %dma_wait3A_234] : memref<16384x56x128xf32, #tpu.memory_space<hbm>> -> memref<1x50x64xf32, #tpu.memory_space<hbm>>
        %dma_wait3A_236 = tpu.memref_squeeze %dma_wait3A_235 : memref<1x50x64xf32, #tpu.memory_space<hbm>> -> memref<50x64xf32, #tpu.memory_space<hbm>>
        %dma_wait3A_237 = arith.constant 50 : i32
        %dma_wait3A_238 = arith.constant 0 : i32
        %dma_wait3A_239 = tpu.memref_slice %arg6[%run_scoped3A_110, %dma_wait3A_237, %dma_wait3A_238] : memref<2x200x128xf32, #tpu.memory_space<vmem>> -> memref<1x50x64xf32, #tpu.memory_space<vmem>>
        %dma_wait3A_240 = tpu.memref_squeeze %dma_wait3A_239 : memref<1x50x64xf32, #tpu.memory_space<vmem>> -> memref<50x64xf32, #tpu.memory_space<vmem>>
        tpu.wait_dma2 semaphore(%run_scoped3A_208 : memref<!tpu.dma_semaphore, #tpu.memory_space<semaphore_mem>>) src(%dma_wait3A_240 : memref<50x64xf32, #tpu.memory_space<vmem>>) dst(%dma_wait3A_236 : memref<50x64xf32, #tpu.memory_space<hbm>>)
        tpu.yield
      }) : () -> ()
      %mul3A_111 = arith.constant 4 : i32
      %mul3A_112 = arith.muli %add3A_74, %mul3A_111 : i32
      %add3A_113 = arith.addi %mul3A_2, %mul3A_112 : i32
      %add3A_114 = arith.constant 2 : i32
      %add3A_115 = arith.addi %add3A_113, %add3A_114 : i32
      %run_scoped3A_116 = arith.constant 1 : i32
      "tpu.region"() ({
        %run_scoped3A_208 = tpu.sem_alloc : memref<!tpu.dma_semaphore, #tpu.memory_space<semaphore_mem>>
        %dma_start3A_209 = arith.constant 100 : i32
        %dma_start3A_210 = arith.constant 0 : i32
        %dma_start3A_211 = tpu.memref_slice %arg6[%run_scoped3A_116, %dma_start3A_209, %dma_start3A_210] : memref<2x200x128xf32, #tpu.memory_space<vmem>> -> memref<1x50x64xf32, #tpu.memory_space<vmem>>
        %dma_start3A_212 = tpu.memref_squeeze %dma_start3A_211 : memref<1x50x64xf32, #tpu.memory_space<vmem>> -> memref<50x64xf32, #tpu.memory_space<vmem>>
        %dma_start3A_213 = arith.constant 0 : i32
        %dma_start3A_214 = arith.constant 0 : i32
        %dma_start3A_215 = tpu.memref_slice %arg4[%add3A_115, %dma_start3A_213, %dma_start3A_214] : memref<16384x56x128xf32, #tpu.memory_space<hbm>> -> memref<1x50x64xf32, #tpu.memory_space<hbm>>
        %dma_start3A_216 = tpu.memref_squeeze %dma_start3A_215 : memref<1x50x64xf32, #tpu.memory_space<hbm>> -> memref<50x64xf32, #tpu.memory_space<hbm>>
        %dma_start3A_217 = arith.constant 0 : i32
        %dma_start3A_218 = arith.constant 0 : i32
        %dma_start3A_219 = tpu.memref_slice %arg4[%add3A_115, %dma_start3A_217, %dma_start3A_218] : memref<16384x56x128xf32, #tpu.memory_space<hbm>> -> memref<1x50x64xf32, #tpu.memory_space<hbm>>
        %dma_start3A_220 = tpu.memref_squeeze %dma_start3A_219 : memref<1x50x64xf32, #tpu.memory_space<hbm>> -> memref<50x64xf32, #tpu.memory_space<hbm>>
        %dma_start3A_221 = arith.constant 100 : i32
        %dma_start3A_222 = arith.constant 0 : i32
        %dma_start3A_223 = tpu.memref_slice %arg6[%run_scoped3A_116, %dma_start3A_221, %dma_start3A_222] : memref<2x200x128xf32, #tpu.memory_space<vmem>> -> memref<1x50x64xf32, #tpu.memory_space<vmem>>
        %dma_start3A_224 = tpu.memref_squeeze %dma_start3A_223 : memref<1x50x64xf32, #tpu.memory_space<vmem>> -> memref<50x64xf32, #tpu.memory_space<vmem>>
        tpu.enqueue_dma source(%dma_start3A_224 : memref<50x64xf32, #tpu.memory_space<vmem>>) target(%dma_start3A_220 : memref<50x64xf32, #tpu.memory_space<hbm>>) target_semaphore(%run_scoped3A_208 : memref<!tpu.dma_semaphore, #tpu.memory_space<semaphore_mem>>)
        %dma_wait3A_225 = arith.constant 100 : i32
        %dma_wait3A_226 = arith.constant 0 : i32
        %dma_wait3A_227 = tpu.memref_slice %arg6[%run_scoped3A_116, %dma_wait3A_225, %dma_wait3A_226] : memref<2x200x128xf32, #tpu.memory_space<vmem>> -> memref<1x50x64xf32, #tpu.memory_space<vmem>>
        %dma_wait3A_228 = tpu.memref_squeeze %dma_wait3A_227 : memref<1x50x64xf32, #tpu.memory_space<vmem>> -> memref<50x64xf32, #tpu.memory_space<vmem>>
        %dma_wait3A_229 = arith.constant 0 : i32
        %dma_wait3A_230 = arith.constant 0 : i32
        %dma_wait3A_231 = tpu.memref_slice %arg4[%add3A_115, %dma_wait3A_229, %dma_wait3A_230] : memref<16384x56x128xf32, #tpu.memory_space<hbm>> -> memref<1x50x64xf32, #tpu.memory_space<hbm>>
        %dma_wait3A_232 = tpu.memref_squeeze %dma_wait3A_231 : memref<1x50x64xf32, #tpu.memory_space<hbm>> -> memref<50x64xf32, #tpu.memory_space<hbm>>
        %dma_wait3A_233 = arith.constant 0 : i32
        %dma_wait3A_234 = arith.constant 0 : i32
        %dma_wait3A_235 = tpu.memref_slice %arg4[%add3A_115, %dma_wait3A_233, %dma_wait3A_234] : memref<16384x56x128xf32, #tpu.memory_space<hbm>> -> memref<1x50x64xf32, #tpu.memory_space<hbm>>
        %dma_wait3A_236 = tpu.memref_squeeze %dma_wait3A_235 : memref<1x50x64xf32, #tpu.memory_space<hbm>> -> memref<50x64xf32, #tpu.memory_space<hbm>>
        %dma_wait3A_237 = arith.constant 100 : i32
        %dma_wait3A_238 = arith.constant 0 : i32
        %dma_wait3A_239 = tpu.memref_slice %arg6[%run_scoped3A_116, %dma_wait3A_237, %dma_wait3A_238] : memref<2x200x128xf32, #tpu.memory_space<vmem>> -> memref<1x50x64xf32, #tpu.memory_space<vmem>>
        %dma_wait3A_240 = tpu.memref_squeeze %dma_wait3A_239 : memref<1x50x64xf32, #tpu.memory_space<vmem>> -> memref<50x64xf32, #tpu.memory_space<vmem>>
        tpu.wait_dma2 semaphore(%run_scoped3A_208 : memref<!tpu.dma_semaphore, #tpu.memory_space<semaphore_mem>>) src(%dma_wait3A_240 : memref<50x64xf32, #tpu.memory_space<vmem>>) dst(%dma_wait3A_236 : memref<50x64xf32, #tpu.memory_space<hbm>>)
        tpu.yield
      }) : () -> ()
      %mul3A_117 = arith.constant 4 : i32
      %mul3A_118 = arith.muli %add3A_74, %mul3A_117 : i32
      %add3A_119 = arith.addi %mul3A_2, %mul3A_118 : i32
      %add3A_120 = arith.constant 3 : i32
      %add3A_121 = arith.addi %add3A_119, %add3A_120 : i32
      %run_scoped3A_122 = arith.constant 1 : i32
      "tpu.region"() ({
        %run_scoped3A_208 = tpu.sem_alloc : memref<!tpu.dma_semaphore, #tpu.memory_space<semaphore_mem>>
        %dma_start3A_209 = arith.constant 150 : i32
        %dma_start3A_210 = arith.constant 0 : i32
        %dma_start3A_211 = tpu.memref_slice %arg6[%run_scoped3A_122, %dma_start3A_209, %dma_start3A_210] : memref<2x200x128xf32, #tpu.memory_space<vmem>> -> memref<1x50x64xf32, #tpu.memory_space<vmem>>
        %dma_start3A_212 = tpu.memref_squeeze %dma_start3A_211 : memref<1x50x64xf32, #tpu.memory_space<vmem>> -> memref<50x64xf32, #tpu.memory_space<vmem>>
        %dma_start3A_213 = arith.constant 0 : i32
        %dma_start3A_214 = arith.constant 0 : i32
        %dma_start3A_215 = tpu.memref_slice %arg4[%add3A_121, %dma_start3A_213, %dma_start3A_214] : memref<16384x56x128xf32, #tpu.memory_space<hbm>> -> memref<1x50x64xf32, #tpu.memory_space<hbm>>
        %dma_start3A_216 = tpu.memref_squeeze %dma_start3A_215 : memref<1x50x64xf32, #tpu.memory_space<hbm>> -> memref<50x64xf32, #tpu.memory_space<hbm>>
        %dma_start3A_217 = arith.constant 0 : i32
        %dma_start3A_218 = arith.constant 0 : i32
        %dma_start3A_219 = tpu.memref_slice %arg4[%add3A_121, %dma_start3A_217, %dma_start3A_218] : memref<16384x56x128xf32, #tpu.memory_space<hbm>> -> memref<1x50x64xf32, #tpu.memory_space<hbm>>
        %dma_start3A_220 = tpu.memref_squeeze %dma_start3A_219 : memref<1x50x64xf32, #tpu.memory_space<hbm>> -> memref<50x64xf32, #tpu.memory_space<hbm>>
        %dma_start3A_221 = arith.constant 150 : i32
        %dma_start3A_222 = arith.constant 0 : i32
        %dma_start3A_223 = tpu.memref_slice %arg6[%run_scoped3A_122, %dma_start3A_221, %dma_start3A_222] : memref<2x200x128xf32, #tpu.memory_space<vmem>> -> memref<1x50x64xf32, #tpu.memory_space<vmem>>
        %dma_start3A_224 = tpu.memref_squeeze %dma_start3A_223 : memref<1x50x64xf32, #tpu.memory_space<vmem>> -> memref<50x64xf32, #tpu.memory_space<vmem>>
        tpu.enqueue_dma source(%dma_start3A_224 : memref<50x64xf32, #tpu.memory_space<vmem>>) target(%dma_start3A_220 : memref<50x64xf32, #tpu.memory_space<hbm>>) target_semaphore(%run_scoped3A_208 : memref<!tpu.dma_semaphore, #tpu.memory_space<semaphore_mem>>)
        %dma_wait3A_225 = arith.constant 150 : i32
        %dma_wait3A_226 = arith.constant 0 : i32
        %dma_wait3A_227 = tpu.memref_slice %arg6[%run_scoped3A_122, %dma_wait3A_225, %dma_wait3A_226] : memref<2x200x128xf32, #tpu.memory_space<vmem>> -> memref<1x50x64xf32, #tpu.memory_space<vmem>>
        %dma_wait3A_228 = tpu.memref_squeeze %dma_wait3A_227 : memref<1x50x64xf32, #tpu.memory_space<vmem>> -> memref<50x64xf32, #tpu.memory_space<vmem>>
        %dma_wait3A_229 = arith.constant 0 : i32
        %dma_wait3A_230 = arith.constant 0 : i32
        %dma_wait3A_231 = tpu.memref_slice %arg4[%add3A_121, %dma_wait3A_229, %dma_wait3A_230] : memref<16384x56x128xf32, #tpu.memory_space<hbm>> -> memref<1x50x64xf32, #tpu.memory_space<hbm>>
        %dma_wait3A_232 = tpu.memref_squeeze %dma_wait3A_231 : memref<1x50x64xf32, #tpu.memory_space<hbm>> -> memref<50x64xf32, #tpu.memory_space<hbm>>
        %dma_wait3A_233 = arith.constant 0 : i32
        %dma_wait3A_234 = arith.constant 0 : i32
        %dma_wait3A_235 = tpu.memref_slice %arg4[%add3A_121, %dma_wait3A_233, %dma_wait3A_234] : memref<16384x56x128xf32, #tpu.memory_space<hbm>> -> memref<1x50x64xf32, #tpu.memory_space<hbm>>
        %dma_wait3A_236 = tpu.memref_squeeze %dma_wait3A_235 : memref<1x50x64xf32, #tpu.memory_space<hbm>> -> memref<50x64xf32, #tpu.memory_space<hbm>>
        %dma_wait3A_237 = arith.constant 150 : i32
        %dma_wait3A_238 = arith.constant 0 : i32
        %dma_wait3A_239 = tpu.memref_slice %arg6[%run_scoped3A_122, %dma_wait3A_237, %dma_wait3A_238] : memref<2x200x128xf32, #tpu.memory_space<vmem>> -> memref<1x50x64xf32, #tpu.memory_space<vmem>>
        %dma_wait3A_240 = tpu.memref_squeeze %dma_wait3A_239 : memref<1x50x64xf32, #tpu.memory_space<vmem>> -> memref<50x64xf32, #tpu.memory_space<vmem>>
        tpu.wait_dma2 semaphore(%run_scoped3A_208 : memref<!tpu.dma_semaphore, #tpu.memory_space<semaphore_mem>>) src(%dma_wait3A_240 : memref<50x64xf32, #tpu.memory_space<vmem>>) dst(%dma_wait3A_236 : memref<50x64xf32, #tpu.memory_space<hbm>>)
        tpu.yield
      }) : () -> ()
      %add3A_123 = arith.constant 2 : i32
      %add3A_124 = arith.addi %mul3A_14, %add3A_123 : i32
      %dma_wait3A_125 = arith.constant 0 : i32
      %dma_wait3A_126 = arith.constant 0 : i32
      %dma_wait3A_127 = arith.constant 0 : i32
      %dma_wait3A_128 = tpu.memref_slice %arg6[%dma_wait3A_125, %dma_wait3A_126, %dma_wait3A_127] : memref<2x200x128xf32, #tpu.memory_space<vmem>> -> memref<1x200x128xf32, #tpu.memory_space<vmem>>
      %dma_wait3A_129 = tpu.memref_squeeze %dma_wait3A_128 : memref<1x200x128xf32, #tpu.memory_space<vmem>> -> memref<200x128xf32, #tpu.memory_space<vmem>>
      %dma_wait3A_130 = tpu.memref_slice %arg5[%mul3A_89] : memref<25600xi32, #tpu.memory_space<vmem>> -> memref<200xi32, #tpu.memory_space<vmem>>
      %dma_wait3A_131 = arith.constant 0 : i32
      %dma_wait3A_132 = arith.constant 0 : i32
      %dma_wait3A_133 = tpu.memref_slice %arg7[%dma_wait3A_131, %dma_wait3A_132] : memref<1000x128xf32, #tpu.memory_space<vmem_shared>> -> memref<1000x128xf32, #tpu.memory_space<vmem_shared>>
      tpu.wait_indirect_dma semaphore(%arg8 : memref<!tpu.dma_semaphore, #tpu.memory_space<semaphore_mem>>) src(%dma_wait3A_133 : memref<1000x128xf32, #tpu.memory_space<vmem_shared>>) dst(%dma_wait3A_129 : memref<200x128xf32, #tpu.memory_space<vmem>>)
      %add3A_134 = arith.constant 2 : i32
      %add3A_135 = arith.addi %mul3A_14, %add3A_134 : i32
      %add3A_136 = arith.constant 1 : i32
      %add3A_137 = arith.addi %add3A_135, %add3A_136 : i32
      %mul3A_138 = arith.constant 200 : i32
      %mul3A_139 = arith.muli %add3A_137, %mul3A_138 : i32
      %dma_start3A_140 = arith.constant 1 : i32
      %dma_start3A_141 = arith.constant 0 : i32
      %dma_start3A_142 = arith.constant 0 : i32
      %dma_start3A_143 = tpu.memref_slice %arg6[%dma_start3A_140, %dma_start3A_141, %dma_start3A_142] : memref<2x200x128xf32, #tpu.memory_space<vmem>> -> memref<1x200x128xf32, #tpu.memory_space<vmem>>
      %dma_start3A_144 = tpu.memref_squeeze %dma_start3A_143 : memref<1x200x128xf32, #tpu.memory_space<vmem>> -> memref<200x128xf32, #tpu.memory_space<vmem>>
      %dma_start3A_145 = tpu.memref_slice %arg5[%mul3A_139] : memref<25600xi32, #tpu.memory_space<vmem>> -> memref<200xi32, #tpu.memory_space<vmem>>
      %dma_start3A_146 = arith.constant 0 : i32
      %dma_start3A_147 = arith.constant 0 : i32
      %dma_start3A_148 = tpu.memref_slice %arg7[%dma_start3A_146, %dma_start3A_147] : memref<1000x128xf32, #tpu.memory_space<vmem_shared>> -> memref<1000x128xf32, #tpu.memory_space<vmem_shared>>
      tpu.enqueue_indirect_dma source(%dma_start3A_148 : memref<1000x128xf32, #tpu.memory_space<vmem_shared>>) target(%dma_start3A_144 : memref<200x128xf32, #tpu.memory_space<vmem>>) offsets(%dma_start3A_145 : memref<200xi32, #tpu.memory_space<vmem>>) semaphore(%arg8 : memref<!tpu.dma_semaphore, #tpu.memory_space<semaphore_mem>>)
      %mul3A_149 = arith.constant 4 : i32
      %mul3A_150 = arith.muli %add3A_124, %mul3A_149 : i32
      %add3A_151 = arith.addi %mul3A_2, %mul3A_150 : i32
      %add3A_152 = arith.constant 0 : i32
      %add3A_153 = arith.addi %add3A_151, %add3A_152 : i32
      %run_scoped3A_154 = arith.constant 0 : i32
      "tpu.region"() ({
        %run_scoped3A_208 = tpu.sem_alloc : memref<!tpu.dma_semaphore, #tpu.memory_space<semaphore_mem>>
        %dma_start3A_209 = arith.constant 0 : i32
        %dma_start3A_210 = arith.constant 0 : i32
        %dma_start3A_211 = tpu.memref_slice %arg6[%run_scoped3A_154, %dma_start3A_209, %dma_start3A_210] : memref<2x200x128xf32, #tpu.memory_space<vmem>> -> memref<1x50x64xf32, #tpu.memory_space<vmem>>
        %dma_start3A_212 = tpu.memref_squeeze %dma_start3A_211 : memref<1x50x64xf32, #tpu.memory_space<vmem>> -> memref<50x64xf32, #tpu.memory_space<vmem>>
        %dma_start3A_213 = arith.constant 0 : i32
        %dma_start3A_214 = arith.constant 0 : i32
        %dma_start3A_215 = tpu.memref_slice %arg4[%add3A_153, %dma_start3A_213, %dma_start3A_214] : memref<16384x56x128xf32, #tpu.memory_space<hbm>> -> memref<1x50x64xf32, #tpu.memory_space<hbm>>
        %dma_start3A_216 = tpu.memref_squeeze %dma_start3A_215 : memref<1x50x64xf32, #tpu.memory_space<hbm>> -> memref<50x64xf32, #tpu.memory_space<hbm>>
        %dma_start3A_217 = arith.constant 0 : i32
        %dma_start3A_218 = arith.constant 0 : i32
        %dma_start3A_219 = tpu.memref_slice %arg4[%add3A_153, %dma_start3A_217, %dma_start3A_218] : memref<16384x56x128xf32, #tpu.memory_space<hbm>> -> memref<1x50x64xf32, #tpu.memory_space<hbm>>
        %dma_start3A_220 = tpu.memref_squeeze %dma_start3A_219 : memref<1x50x64xf32, #tpu.memory_space<hbm>> -> memref<50x64xf32, #tpu.memory_space<hbm>>
        %dma_start3A_221 = arith.constant 0 : i32
        %dma_start3A_222 = arith.constant 0 : i32
        %dma_start3A_223 = tpu.memref_slice %arg6[%run_scoped3A_154, %dma_start3A_221, %dma_start3A_222] : memref<2x200x128xf32, #tpu.memory_space<vmem>> -> memref<1x50x64xf32, #tpu.memory_space<vmem>>
        %dma_start3A_224 = tpu.memref_squeeze %dma_start3A_223 : memref<1x50x64xf32, #tpu.memory_space<vmem>> -> memref<50x64xf32, #tpu.memory_space<vmem>>
        tpu.enqueue_dma source(%dma_start3A_224 : memref<50x64xf32, #tpu.memory_space<vmem>>) target(%dma_start3A_220 : memref<50x64xf32, #tpu.memory_space<hbm>>) target_semaphore(%run_scoped3A_208 : memref<!tpu.dma_semaphore, #tpu.memory_space<semaphore_mem>>)
        %dma_wait3A_225 = arith.constant 0 : i32
        %dma_wait3A_226 = arith.constant 0 : i32
        %dma_wait3A_227 = tpu.memref_slice %arg6[%run_scoped3A_154, %dma_wait3A_225, %dma_wait3A_226] : memref<2x200x128xf32, #tpu.memory_space<vmem>> -> memref<1x50x64xf32, #tpu.memory_space<vmem>>
        %dma_wait3A_228 = tpu.memref_squeeze %dma_wait3A_227 : memref<1x50x64xf32, #tpu.memory_space<vmem>> -> memref<50x64xf32, #tpu.memory_space<vmem>>
        %dma_wait3A_229 = arith.constant 0 : i32
        %dma_wait3A_230 = arith.constant 0 : i32
        %dma_wait3A_231 = tpu.memref_slice %arg4[%add3A_153, %dma_wait3A_229, %dma_wait3A_230] : memref<16384x56x128xf32, #tpu.memory_space<hbm>> -> memref<1x50x64xf32, #tpu.memory_space<hbm>>
        %dma_wait3A_232 = tpu.memref_squeeze %dma_wait3A_231 : memref<1x50x64xf32, #tpu.memory_space<hbm>> -> memref<50x64xf32, #tpu.memory_space<hbm>>
        %dma_wait3A_233 = arith.constant 0 : i32
        %dma_wait3A_234 = arith.constant 0 : i32
        %dma_wait3A_235 = tpu.memref_slice %arg4[%add3A_153, %dma_wait3A_233, %dma_wait3A_234] : memref<16384x56x128xf32, #tpu.memory_space<hbm>> -> memref<1x50x64xf32, #tpu.memory_space<hbm>>
        %dma_wait3A_236 = tpu.memref_squeeze %dma_wait3A_235 : memref<1x50x64xf32, #tpu.memory_space<hbm>> -> memref<50x64xf32, #tpu.memory_space<hbm>>
        %dma_wait3A_237 = arith.constant 0 : i32
        %dma_wait3A_238 = arith.constant 0 : i32
        %dma_wait3A_239 = tpu.memref_slice %arg6[%run_scoped3A_154, %dma_wait3A_237, %dma_wait3A_238] : memref<2x200x128xf32, #tpu.memory_space<vmem>> -> memref<1x50x64xf32, #tpu.memory_space<vmem>>
        %dma_wait3A_240 = tpu.memref_squeeze %dma_wait3A_239 : memref<1x50x64xf32, #tpu.memory_space<vmem>> -> memref<50x64xf32, #tpu.memory_space<vmem>>
        tpu.wait_dma2 semaphore(%run_scoped3A_208 : memref<!tpu.dma_semaphore, #tpu.memory_space<semaphore_mem>>) src(%dma_wait3A_240 : memref<50x64xf32, #tpu.memory_space<vmem>>) dst(%dma_wait3A_236 : memref<50x64xf32, #tpu.memory_space<hbm>>)
        tpu.yield
      }) : () -> ()
      %mul3A_155 = arith.constant 4 : i32
      %mul3A_156 = arith.muli %add3A_124, %mul3A_155 : i32
      %add3A_157 = arith.addi %mul3A_2, %mul3A_156 : i32
      %add3A_158 = arith.constant 1 : i32
      %add3A_159 = arith.addi %add3A_157, %add3A_158 : i32
      %run_scoped3A_160 = arith.constant 0 : i32
      "tpu.region"() ({
        %run_scoped3A_208 = tpu.sem_alloc : memref<!tpu.dma_semaphore, #tpu.memory_space<semaphore_mem>>
        %dma_start3A_209 = arith.constant 50 : i32
        %dma_start3A_210 = arith.constant 0 : i32
        %dma_start3A_211 = tpu.memref_slice %arg6[%run_scoped3A_160, %dma_start3A_209, %dma_start3A_210] : memref<2x200x128xf32, #tpu.memory_space<vmem>> -> memref<1x50x64xf32, #tpu.memory_space<vmem>>
        %dma_start3A_212 = tpu.memref_squeeze %dma_start3A_211 : memref<1x50x64xf32, #tpu.memory_space<vmem>> -> memref<50x64xf32, #tpu.memory_space<vmem>>
        %dma_start3A_213 = arith.constant 0 : i32
        %dma_start3A_214 = arith.constant 0 : i32
        %dma_start3A_215 = tpu.memref_slice %arg4[%add3A_159, %dma_start3A_213, %dma_start3A_214] : memref<16384x56x128xf32, #tpu.memory_space<hbm>> -> memref<1x50x64xf32, #tpu.memory_space<hbm>>
        %dma_start3A_216 = tpu.memref_squeeze %dma_start3A_215 : memref<1x50x64xf32, #tpu.memory_space<hbm>> -> memref<50x64xf32, #tpu.memory_space<hbm>>
        %dma_start3A_217 = arith.constant 0 : i32
        %dma_start3A_218 = arith.constant 0 : i32
        %dma_start3A_219 = tpu.memref_slice %arg4[%add3A_159, %dma_start3A_217, %dma_start3A_218] : memref<16384x56x128xf32, #tpu.memory_space<hbm>> -> memref<1x50x64xf32, #tpu.memory_space<hbm>>
        %dma_start3A_220 = tpu.memref_squeeze %dma_start3A_219 : memref<1x50x64xf32, #tpu.memory_space<hbm>> -> memref<50x64xf32, #tpu.memory_space<hbm>>
        %dma_start3A_221 = arith.constant 50 : i32
        %dma_start3A_222 = arith.constant 0 : i32
        %dma_start3A_223 = tpu.memref_slice %arg6[%run_scoped3A_160, %dma_start3A_221, %dma_start3A_222] : memref<2x200x128xf32, #tpu.memory_space<vmem>> -> memref<1x50x64xf32, #tpu.memory_space<vmem>>
        %dma_start3A_224 = tpu.memref_squeeze %dma_start3A_223 : memref<1x50x64xf32, #tpu.memory_space<vmem>> -> memref<50x64xf32, #tpu.memory_space<vmem>>
        tpu.enqueue_dma source(%dma_start3A_224 : memref<50x64xf32, #tpu.memory_space<vmem>>) target(%dma_start3A_220 : memref<50x64xf32, #tpu.memory_space<hbm>>) target_semaphore(%run_scoped3A_208 : memref<!tpu.dma_semaphore, #tpu.memory_space<semaphore_mem>>)
        %dma_wait3A_225 = arith.constant 50 : i32
        %dma_wait3A_226 = arith.constant 0 : i32
        %dma_wait3A_227 = tpu.memref_slice %arg6[%run_scoped3A_160, %dma_wait3A_225, %dma_wait3A_226] : memref<2x200x128xf32, #tpu.memory_space<vmem>> -> memref<1x50x64xf32, #tpu.memory_space<vmem>>
        %dma_wait3A_228 = tpu.memref_squeeze %dma_wait3A_227 : memref<1x50x64xf32, #tpu.memory_space<vmem>> -> memref<50x64xf32, #tpu.memory_space<vmem>>
        %dma_wait3A_229 = arith.constant 0 : i32
        %dma_wait3A_230 = arith.constant 0 : i32
        %dma_wait3A_231 = tpu.memref_slice %arg4[%add3A_159, %dma_wait3A_229, %dma_wait3A_230] : memref<16384x56x128xf32, #tpu.memory_space<hbm>> -> memref<1x50x64xf32, #tpu.memory_space<hbm>>
        %dma_wait3A_232 = tpu.memref_squeeze %dma_wait3A_231 : memref<1x50x64xf32, #tpu.memory_space<hbm>> -> memref<50x64xf32, #tpu.memory_space<hbm>>
        %dma_wait3A_233 = arith.constant 0 : i32
        %dma_wait3A_234 = arith.constant 0 : i32
        %dma_wait3A_235 = tpu.memref_slice %arg4[%add3A_159, %dma_wait3A_233, %dma_wait3A_234] : memref<16384x56x128xf32, #tpu.memory_space<hbm>> -> memref<1x50x64xf32, #tpu.memory_space<hbm>>
        %dma_wait3A_236 = tpu.memref_squeeze %dma_wait3A_235 : memref<1x50x64xf32, #tpu.memory_space<hbm>> -> memref<50x64xf32, #tpu.memory_space<hbm>>
        %dma_wait3A_237 = arith.constant 50 : i32
        %dma_wait3A_238 = arith.constant 0 : i32
        %dma_wait3A_239 = tpu.memref_slice %arg6[%run_scoped3A_160, %dma_wait3A_237, %dma_wait3A_238] : memref<2x200x128xf32, #tpu.memory_space<vmem>> -> memref<1x50x64xf32, #tpu.memory_space<vmem>>
        %dma_wait3A_240 = tpu.memref_squeeze %dma_wait3A_239 : memref<1x50x64xf32, #tpu.memory_space<vmem>> -> memref<50x64xf32, #tpu.memory_space<vmem>>
        tpu.wait_dma2 semaphore(%run_scoped3A_208 : memref<!tpu.dma_semaphore, #tpu.memory_space<semaphore_mem>>) src(%dma_wait3A_240 : memref<50x64xf32, #tpu.memory_space<vmem>>) dst(%dma_wait3A_236 : memref<50x64xf32, #tpu.memory_space<hbm>>)
        tpu.yield
      }) : () -> ()
      %mul3A_161 = arith.constant 4 : i32
      %mul3A_162 = arith.muli %add3A_124, %mul3A_161 : i32
      %add3A_163 = arith.addi %mul3A_2, %mul3A_162 : i32
      %add3A_164 = arith.constant 2 : i32
      %add3A_165 = arith.addi %add3A_163, %add3A_164 : i32
      %run_scoped3A_166 = arith.constant 0 : i32
      "tpu.region"() ({
        %run_scoped3A_208 = tpu.sem_alloc : memref<!tpu.dma_semaphore, #tpu.memory_space<semaphore_mem>>
        %dma_start3A_209 = arith.constant 100 : i32
        %dma_start3A_210 = arith.constant 0 : i32
        %dma_start3A_211 = tpu.memref_slice %arg6[%run_scoped3A_166, %dma_start3A_209, %dma_start3A_210] : memref<2x200x128xf32, #tpu.memory_space<vmem>> -> memref<1x50x64xf32, #tpu.memory_space<vmem>>
        %dma_start3A_212 = tpu.memref_squeeze %dma_start3A_211 : memref<1x50x64xf32, #tpu.memory_space<vmem>> -> memref<50x64xf32, #tpu.memory_space<vmem>>
        %dma_start3A_213 = arith.constant 0 : i32
        %dma_start3A_214 = arith.constant 0 : i32
        %dma_start3A_215 = tpu.memref_slice %arg4[%add3A_165, %dma_start3A_213, %dma_start3A_214] : memref<16384x56x128xf32, #tpu.memory_space<hbm>> -> memref<1x50x64xf32, #tpu.memory_space<hbm>>
        %dma_start3A_216 = tpu.memref_squeeze %dma_start3A_215 : memref<1x50x64xf32, #tpu.memory_space<hbm>> -> memref<50x64xf32, #tpu.memory_space<hbm>>
        %dma_start3A_217 = arith.constant 0 : i32
        %dma_start3A_218 = arith.constant 0 : i32
        %dma_start3A_219 = tpu.memref_slice %arg4[%add3A_165, %dma_start3A_217, %dma_start3A_218] : memref<16384x56x128xf32, #tpu.memory_space<hbm>> -> memref<1x50x64xf32, #tpu.memory_space<hbm>>
        %dma_start3A_220 = tpu.memref_squeeze %dma_start3A_219 : memref<1x50x64xf32, #tpu.memory_space<hbm>> -> memref<50x64xf32, #tpu.memory_space<hbm>>
        %dma_start3A_221 = arith.constant 100 : i32
        %dma_start3A_222 = arith.constant 0 : i32
        %dma_start3A_223 = tpu.memref_slice %arg6[%run_scoped3A_166, %dma_start3A_221, %dma_start3A_222] : memref<2x200x128xf32, #tpu.memory_space<vmem>> -> memref<1x50x64xf32, #tpu.memory_space<vmem>>
        %dma_start3A_224 = tpu.memref_squeeze %dma_start3A_223 : memref<1x50x64xf32, #tpu.memory_space<vmem>> -> memref<50x64xf32, #tpu.memory_space<vmem>>
        tpu.enqueue_dma source(%dma_start3A_224 : memref<50x64xf32, #tpu.memory_space<vmem>>) target(%dma_start3A_220 : memref<50x64xf32, #tpu.memory_space<hbm>>) target_semaphore(%run_scoped3A_208 : memref<!tpu.dma_semaphore, #tpu.memory_space<semaphore_mem>>)
        %dma_wait3A_225 = arith.constant 100 : i32
        %dma_wait3A_226 = arith.constant 0 : i32
        %dma_wait3A_227 = tpu.memref_slice %arg6[%run_scoped3A_166, %dma_wait3A_225, %dma_wait3A_226] : memref<2x200x128xf32, #tpu.memory_space<vmem>> -> memref<1x50x64xf32, #tpu.memory_space<vmem>>
        %dma_wait3A_228 = tpu.memref_squeeze %dma_wait3A_227 : memref<1x50x64xf32, #tpu.memory_space<vmem>> -> memref<50x64xf32, #tpu.memory_space<vmem>>
        %dma_wait3A_229 = arith.constant 0 : i32
        %dma_wait3A_230 = arith.constant 0 : i32
        %dma_wait3A_231 = tpu.memref_slice %arg4[%add3A_165, %dma_wait3A_229, %dma_wait3A_230] : memref<16384x56x128xf32, #tpu.memory_space<hbm>> -> memref<1x50x64xf32, #tpu.memory_space<hbm>>
        %dma_wait3A_232 = tpu.memref_squeeze %dma_wait3A_231 : memref<1x50x64xf32, #tpu.memory_space<hbm>> -> memref<50x64xf32, #tpu.memory_space<hbm>>
        %dma_wait3A_233 = arith.constant 0 : i32
        %dma_wait3A_234 = arith.constant 0 : i32
        %dma_wait3A_235 = tpu.memref_slice %arg4[%add3A_165, %dma_wait3A_233, %dma_wait3A_234] : memref<16384x56x128xf32, #tpu.memory_space<hbm>> -> memref<1x50x64xf32, #tpu.memory_space<hbm>>
        %dma_wait3A_236 = tpu.memref_squeeze %dma_wait3A_235 : memref<1x50x64xf32, #tpu.memory_space<hbm>> -> memref<50x64xf32, #tpu.memory_space<hbm>>
        %dma_wait3A_237 = arith.constant 100 : i32
        %dma_wait3A_238 = arith.constant 0 : i32
        %dma_wait3A_239 = tpu.memref_slice %arg6[%run_scoped3A_166, %dma_wait3A_237, %dma_wait3A_238] : memref<2x200x128xf32, #tpu.memory_space<vmem>> -> memref<1x50x64xf32, #tpu.memory_space<vmem>>
        %dma_wait3A_240 = tpu.memref_squeeze %dma_wait3A_239 : memref<1x50x64xf32, #tpu.memory_space<vmem>> -> memref<50x64xf32, #tpu.memory_space<vmem>>
        tpu.wait_dma2 semaphore(%run_scoped3A_208 : memref<!tpu.dma_semaphore, #tpu.memory_space<semaphore_mem>>) src(%dma_wait3A_240 : memref<50x64xf32, #tpu.memory_space<vmem>>) dst(%dma_wait3A_236 : memref<50x64xf32, #tpu.memory_space<hbm>>)
        tpu.yield
      }) : () -> ()
      %mul3A_167 = arith.constant 4 : i32
      %mul3A_168 = arith.muli %add3A_124, %mul3A_167 : i32
      %add3A_169 = arith.addi %mul3A_2, %mul3A_168 : i32
      %add3A_170 = arith.constant 3 : i32
      %add3A_171 = arith.addi %add3A_169, %add3A_170 : i32
      %run_scoped3A_172 = arith.constant 0 : i32
      "tpu.region"() ({
        %run_scoped3A_208 = tpu.sem_alloc : memref<!tpu.dma_semaphore, #tpu.memory_space<semaphore_mem>>
        %dma_start3A_209 = arith.constant 150 : i32
        %dma_start3A_210 = arith.constant 0 : i32
        %dma_start3A_211 = tpu.memref_slice %arg6[%run_scoped3A_172, %dma_start3A_209, %dma_start3A_210] : memref<2x200x128xf32, #tpu.memory_space<vmem>> -> memref<1x50x64xf32, #tpu.memory_space<vmem>>
        %dma_start3A_212 = tpu.memref_squeeze %dma_start3A_211 : memref<1x50x64xf32, #tpu.memory_space<vmem>> -> memref<50x64xf32, #tpu.memory_space<vmem>>
        %dma_start3A_213 = arith.constant 0 : i32
        %dma_start3A_214 = arith.constant 0 : i32
        %dma_start3A_215 = tpu.memref_slice %arg4[%add3A_171, %dma_start3A_213, %dma_start3A_214] : memref<16384x56x128xf32, #tpu.memory_space<hbm>> -> memref<1x50x64xf32, #tpu.memory_space<hbm>>
        %dma_start3A_216 = tpu.memref_squeeze %dma_start3A_215 : memref<1x50x64xf32, #tpu.memory_space<hbm>> -> memref<50x64xf32, #tpu.memory_space<hbm>>
        %dma_start3A_217 = arith.constant 0 : i32
        %dma_start3A_218 = arith.constant 0 : i32
        %dma_start3A_219 = tpu.memref_slice %arg4[%add3A_171, %dma_start3A_217, %dma_start3A_218] : memref<16384x56x128xf32, #tpu.memory_space<hbm>> -> memref<1x50x64xf32, #tpu.memory_space<hbm>>
        %dma_start3A_220 = tpu.memref_squeeze %dma_start3A_219 : memref<1x50x64xf32, #tpu.memory_space<hbm>> -> memref<50x64xf32, #tpu.memory_space<hbm>>
        %dma_start3A_221 = arith.constant 150 : i32
        %dma_start3A_222 = arith.constant 0 : i32
        %dma_start3A_223 = tpu.memref_slice %arg6[%run_scoped3A_172, %dma_start3A_221, %dma_start3A_222] : memref<2x200x128xf32, #tpu.memory_space<vmem>> -> memref<1x50x64xf32, #tpu.memory_space<vmem>>
        %dma_start3A_224 = tpu.memref_squeeze %dma_start3A_223 : memref<1x50x64xf32, #tpu.memory_space<vmem>> -> memref<50x64xf32, #tpu.memory_space<vmem>>
        tpu.enqueue_dma source(%dma_start3A_224 : memref<50x64xf32, #tpu.memory_space<vmem>>) target(%dma_start3A_220 : memref<50x64xf32, #tpu.memory_space<hbm>>) target_semaphore(%run_scoped3A_208 : memref<!tpu.dma_semaphore, #tpu.memory_space<semaphore_mem>>)
        %dma_wait3A_225 = arith.constant 150 : i32
        %dma_wait3A_226 = arith.constant 0 : i32
        %dma_wait3A_227 = tpu.memref_slice %arg6[%run_scoped3A_172, %dma_wait3A_225, %dma_wait3A_226] : memref<2x200x128xf32, #tpu.memory_space<vmem>> -> memref<1x50x64xf32, #tpu.memory_space<vmem>>
        %dma_wait3A_228 = tpu.memref_squeeze %dma_wait3A_227 : memref<1x50x64xf32, #tpu.memory_space<vmem>> -> memref<50x64xf32, #tpu.memory_space<vmem>>
        %dma_wait3A_229 = arith.constant 0 : i32
        %dma_wait3A_230 = arith.constant 0 : i32
        %dma_wait3A_231 = tpu.memref_slice %arg4[%add3A_171, %dma_wait3A_229, %dma_wait3A_230] : memref<16384x56x128xf32, #tpu.memory_space<hbm>> -> memref<1x50x64xf32, #tpu.memory_space<hbm>>
        %dma_wait3A_232 = tpu.memref_squeeze %dma_wait3A_231 : memref<1x50x64xf32, #tpu.memory_space<hbm>> -> memref<50x64xf32, #tpu.memory_space<hbm>>
        %dma_wait3A_233 = arith.constant 0 : i32
        %dma_wait3A_234 = arith.constant 0 : i32
        %dma_wait3A_235 = tpu.memref_slice %arg4[%add3A_171, %dma_wait3A_233, %dma_wait3A_234] : memref<16384x56x128xf32, #tpu.memory_space<hbm>> -> memref<1x50x64xf32, #tpu.memory_space<hbm>>
        %dma_wait3A_236 = tpu.memref_squeeze %dma_wait3A_235 : memref<1x50x64xf32, #tpu.memory_space<hbm>> -> memref<50x64xf32, #tpu.memory_space<hbm>>
        %dma_wait3A_237 = arith.constant 150 : i32
        %dma_wait3A_238 = arith.constant 0 : i32
        %dma_wait3A_239 = tpu.memref_slice %arg6[%run_scoped3A_172, %dma_wait3A_237, %dma_wait3A_238] : memref<2x200x128xf32, #tpu.memory_space<vmem>> -> memref<1x50x64xf32, #tpu.memory_space<vmem>>
        %dma_wait3A_240 = tpu.memref_squeeze %dma_wait3A_239 : memref<1x50x64xf32, #tpu.memory_space<vmem>> -> memref<50x64xf32, #tpu.memory_space<vmem>>
        tpu.wait_dma2 semaphore(%run_scoped3A_208 : memref<!tpu.dma_semaphore, #tpu.memory_space<semaphore_mem>>) src(%dma_wait3A_240 : memref<50x64xf32, #tpu.memory_space<vmem>>) dst(%dma_wait3A_236 : memref<50x64xf32, #tpu.memory_space<hbm>>)
        tpu.yield
      }) : () -> ()
      %add3A_173 = arith.constant 3 : i32
      %add3A_174 = arith.addi %mul3A_14, %add3A_173 : i32
      %dma_wait3A_175 = arith.constant 1 : i32
      %dma_wait3A_176 = arith.constant 0 : i32
      %dma_wait3A_177 = arith.constant 0 : i32
      %dma_wait3A_178 = tpu.memref_slice %arg6[%dma_wait3A_175, %dma_wait3A_176, %dma_wait3A_177] : memref<2x200x128xf32, #tpu.memory_space<vmem>> -> memref<1x200x128xf32, #tpu.memory_space<vmem>>
      %dma_wait3A_179 = tpu.memref_squeeze %dma_wait3A_178 : memref<1x200x128xf32, #tpu.memory_space<vmem>> -> memref<200x128xf32, #tpu.memory_space<vmem>>
      %dma_wait3A_180 = tpu.memref_slice %arg5[%mul3A_139] : memref<25600xi32, #tpu.memory_space<vmem>> -> memref<200xi32, #tpu.memory_space<vmem>>
      %dma_wait3A_181 = arith.constant 0 : i32
      %dma_wait3A_182 = arith.constant 0 : i32
      %dma_wait3A_183 = tpu.memref_slice %arg7[%dma_wait3A_181, %dma_wait3A_182] : memref<1000x128xf32, #tpu.memory_space<vmem_shared>> -> memref<1000x128xf32, #tpu.memory_space<vmem_shared>>
      tpu.wait_indirect_dma semaphore(%arg8 : memref<!tpu.dma_semaphore, #tpu.memory_space<semaphore_mem>>) src(%dma_wait3A_183 : memref<1000x128xf32, #tpu.memory_space<vmem_shared>>) dst(%dma_wait3A_179 : memref<200x128xf32, #tpu.memory_space<vmem>>)
      %mul3A_184 = arith.constant 4 : i32
      %mul3A_185 = arith.muli %add3A_174, %mul3A_184 : i32
      %add3A_186 = arith.addi %mul3A_2, %mul3A_185 : i32
      %add3A_187 = arith.constant 0 : i32
      %add3A_188 = arith.addi %add3A_186, %add3A_187 : i32
      %run_scoped3A_189 = arith.constant 1 : i32
      "tpu.region"() ({
        %run_scoped3A_208 = tpu.sem_alloc : memref<!tpu.dma_semaphore, #tpu.memory_space<semaphore_mem>>
        %dma_start3A_209 = arith.constant 0 : i32
        %dma_start3A_210 = arith.constant 0 : i32
        %dma_start3A_211 = tpu.memref_slice %arg6[%run_scoped3A_189, %dma_start3A_209, %dma_start3A_210] : memref<2x200x128xf32, #tpu.memory_space<vmem>> -> memref<1x50x64xf32, #tpu.memory_space<vmem>>
        %dma_start3A_212 = tpu.memref_squeeze %dma_start3A_211 : memref<1x50x64xf32, #tpu.memory_space<vmem>> -> memref<50x64xf32, #tpu.memory_space<vmem>>
        %dma_start3A_213 = arith.constant 0 : i32
        %dma_start3A_214 = arith.constant 0 : i32
        %dma_start3A_215 = tpu.memref_slice %arg4[%add3A_188, %dma_start3A_213, %dma_start3A_214] : memref<16384x56x128xf32, #tpu.memory_space<hbm>> -> memref<1x50x64xf32, #tpu.memory_space<hbm>>
        %dma_start3A_216 = tpu.memref_squeeze %dma_start3A_215 : memref<1x50x64xf32, #tpu.memory_space<hbm>> -> memref<50x64xf32, #tpu.memory_space<hbm>>
        %dma_start3A_217 = arith.constant 0 : i32
        %dma_start3A_218 = arith.constant 0 : i32
        %dma_start3A_219 = tpu.memref_slice %arg4[%add3A_188, %dma_start3A_217, %dma_start3A_218] : memref<16384x56x128xf32, #tpu.memory_space<hbm>> -> memref<1x50x64xf32, #tpu.memory_space<hbm>>
        %dma_start3A_220 = tpu.memref_squeeze %dma_start3A_219 : memref<1x50x64xf32, #tpu.memory_space<hbm>> -> memref<50x64xf32, #tpu.memory_space<hbm>>
        %dma_start3A_221 = arith.constant 0 : i32
        %dma_start3A_222 = arith.constant 0 : i32
        %dma_start3A_223 = tpu.memref_slice %arg6[%run_scoped3A_189, %dma_start3A_221, %dma_start3A_222] : memref<2x200x128xf32, #tpu.memory_space<vmem>> -> memref<1x50x64xf32, #tpu.memory_space<vmem>>
        %dma_start3A_224 = tpu.memref_squeeze %dma_start3A_223 : memref<1x50x64xf32, #tpu.memory_space<vmem>> -> memref<50x64xf32, #tpu.memory_space<vmem>>
        tpu.enqueue_dma source(%dma_start3A_224 : memref<50x64xf32, #tpu.memory_space<vmem>>) target(%dma_start3A_220 : memref<50x64xf32, #tpu.memory_space<hbm>>) target_semaphore(%run_scoped3A_208 : memref<!tpu.dma_semaphore, #tpu.memory_space<semaphore_mem>>)
        %dma_wait3A_225 = arith.constant 0 : i32
        %dma_wait3A_226 = arith.constant 0 : i32
        %dma_wait3A_227 = tpu.memref_slice %arg6[%run_scoped3A_189, %dma_wait3A_225, %dma_wait3A_226] : memref<2x200x128xf32, #tpu.memory_space<vmem>> -> memref<1x50x64xf32, #tpu.memory_space<vmem>>
        %dma_wait3A_228 = tpu.memref_squeeze %dma_wait3A_227 : memref<1x50x64xf32, #tpu.memory_space<vmem>> -> memref<50x64xf32, #tpu.memory_space<vmem>>
        %dma_wait3A_229 = arith.constant 0 : i32
        %dma_wait3A_230 = arith.constant 0 : i32
        %dma_wait3A_231 = tpu.memref_slice %arg4[%add3A_188, %dma_wait3A_229, %dma_wait3A_230] : memref<16384x56x128xf32, #tpu.memory_space<hbm>> -> memref<1x50x64xf32, #tpu.memory_space<hbm>>
        %dma_wait3A_232 = tpu.memref_squeeze %dma_wait3A_231 : memref<1x50x64xf32, #tpu.memory_space<hbm>> -> memref<50x64xf32, #tpu.memory_space<hbm>>
        %dma_wait3A_233 = arith.constant 0 : i32
        %dma_wait3A_234 = arith.constant 0 : i32
        %dma_wait3A_235 = tpu.memref_slice %arg4[%add3A_188, %dma_wait3A_233, %dma_wait3A_234] : memref<16384x56x128xf32, #tpu.memory_space<hbm>> -> memref<1x50x64xf32, #tpu.memory_space<hbm>>
        %dma_wait3A_236 = tpu.memref_squeeze %dma_wait3A_235 : memref<1x50x64xf32, #tpu.memory_space<hbm>> -> memref<50x64xf32, #tpu.memory_space<hbm>>
        %dma_wait3A_237 = arith.constant 0 : i32
        %dma_wait3A_238 = arith.constant 0 : i32
        %dma_wait3A_239 = tpu.memref_slice %arg6[%run_scoped3A_189, %dma_wait3A_237, %dma_wait3A_238] : memref<2x200x128xf32, #tpu.memory_space<vmem>> -> memref<1x50x64xf32, #tpu.memory_space<vmem>>
        %dma_wait3A_240 = tpu.memref_squeeze %dma_wait3A_239 : memref<1x50x64xf32, #tpu.memory_space<vmem>> -> memref<50x64xf32, #tpu.memory_space<vmem>>
        tpu.wait_dma2 semaphore(%run_scoped3A_208 : memref<!tpu.dma_semaphore, #tpu.memory_space<semaphore_mem>>) src(%dma_wait3A_240 : memref<50x64xf32, #tpu.memory_space<vmem>>) dst(%dma_wait3A_236 : memref<50x64xf32, #tpu.memory_space<hbm>>)
        tpu.yield
      }) : () -> ()
      %mul3A_190 = arith.constant 4 : i32
      %mul3A_191 = arith.muli %add3A_174, %mul3A_190 : i32
      %add3A_192 = arith.addi %mul3A_2, %mul3A_191 : i32
      %add3A_193 = arith.constant 1 : i32
      %add3A_194 = arith.addi %add3A_192, %add3A_193 : i32
      %run_scoped3A_195 = arith.constant 1 : i32
      "tpu.region"() ({
        %run_scoped3A_208 = tpu.sem_alloc : memref<!tpu.dma_semaphore, #tpu.memory_space<semaphore_mem>>
        %dma_start3A_209 = arith.constant 50 : i32
        %dma_start3A_210 = arith.constant 0 : i32
        %dma_start3A_211 = tpu.memref_slice %arg6[%run_scoped3A_195, %dma_start3A_209, %dma_start3A_210] : memref<2x200x128xf32, #tpu.memory_space<vmem>> -> memref<1x50x64xf32, #tpu.memory_space<vmem>>
        %dma_start3A_212 = tpu.memref_squeeze %dma_start3A_211 : memref<1x50x64xf32, #tpu.memory_space<vmem>> -> memref<50x64xf32, #tpu.memory_space<vmem>>
        %dma_start3A_213 = arith.constant 0 : i32
        %dma_start3A_214 = arith.constant 0 : i32
        %dma_start3A_215 = tpu.memref_slice %arg4[%add3A_194, %dma_start3A_213, %dma_start3A_214] : memref<16384x56x128xf32, #tpu.memory_space<hbm>> -> memref<1x50x64xf32, #tpu.memory_space<hbm>>
        %dma_start3A_216 = tpu.memref_squeeze %dma_start3A_215 : memref<1x50x64xf32, #tpu.memory_space<hbm>> -> memref<50x64xf32, #tpu.memory_space<hbm>>
        %dma_start3A_217 = arith.constant 0 : i32
        %dma_start3A_218 = arith.constant 0 : i32
        %dma_start3A_219 = tpu.memref_slice %arg4[%add3A_194, %dma_start3A_217, %dma_start3A_218] : memref<16384x56x128xf32, #tpu.memory_space<hbm>> -> memref<1x50x64xf32, #tpu.memory_space<hbm>>
        %dma_start3A_220 = tpu.memref_squeeze %dma_start3A_219 : memref<1x50x64xf32, #tpu.memory_space<hbm>> -> memref<50x64xf32, #tpu.memory_space<hbm>>
        %dma_start3A_221 = arith.constant 50 : i32
        %dma_start3A_222 = arith.constant 0 : i32
        %dma_start3A_223 = tpu.memref_slice %arg6[%run_scoped3A_195, %dma_start3A_221, %dma_start3A_222] : memref<2x200x128xf32, #tpu.memory_space<vmem>> -> memref<1x50x64xf32, #tpu.memory_space<vmem>>
        %dma_start3A_224 = tpu.memref_squeeze %dma_start3A_223 : memref<1x50x64xf32, #tpu.memory_space<vmem>> -> memref<50x64xf32, #tpu.memory_space<vmem>>
        tpu.enqueue_dma source(%dma_start3A_224 : memref<50x64xf32, #tpu.memory_space<vmem>>) target(%dma_start3A_220 : memref<50x64xf32, #tpu.memory_space<hbm>>) target_semaphore(%run_scoped3A_208 : memref<!tpu.dma_semaphore, #tpu.memory_space<semaphore_mem>>)
        %dma_wait3A_225 = arith.constant 50 : i32
        %dma_wait3A_226 = arith.constant 0 : i32
        %dma_wait3A_227 = tpu.memref_slice %arg6[%run_scoped3A_195, %dma_wait3A_225, %dma_wait3A_226] : memref<2x200x128xf32, #tpu.memory_space<vmem>> -> memref<1x50x64xf32, #tpu.memory_space<vmem>>
        %dma_wait3A_228 = tpu.memref_squeeze %dma_wait3A_227 : memref<1x50x64xf32, #tpu.memory_space<vmem>> -> memref<50x64xf32, #tpu.memory_space<vmem>>
        %dma_wait3A_229 = arith.constant 0 : i32
        %dma_wait3A_230 = arith.constant 0 : i32
        %dma_wait3A_231 = tpu.memref_slice %arg4[%add3A_194, %dma_wait3A_229, %dma_wait3A_230] : memref<16384x56x128xf32, #tpu.memory_space<hbm>> -> memref<1x50x64xf32, #tpu.memory_space<hbm>>
        %dma_wait3A_232 = tpu.memref_squeeze %dma_wait3A_231 : memref<1x50x64xf32, #tpu.memory_space<hbm>> -> memref<50x64xf32, #tpu.memory_space<hbm>>
        %dma_wait3A_233 = arith.constant 0 : i32
        %dma_wait3A_234 = arith.constant 0 : i32
        %dma_wait3A_235 = tpu.memref_slice %arg4[%add3A_194, %dma_wait3A_233, %dma_wait3A_234] : memref<16384x56x128xf32, #tpu.memory_space<hbm>> -> memref<1x50x64xf32, #tpu.memory_space<hbm>>
        %dma_wait3A_236 = tpu.memref_squeeze %dma_wait3A_235 : memref<1x50x64xf32, #tpu.memory_space<hbm>> -> memref<50x64xf32, #tpu.memory_space<hbm>>
        %dma_wait3A_237 = arith.constant 50 : i32
        %dma_wait3A_238 = arith.constant 0 : i32
        %dma_wait3A_239 = tpu.memref_slice %arg6[%run_scoped3A_195, %dma_wait3A_237, %dma_wait3A_238] : memref<2x200x128xf32, #tpu.memory_space<vmem>> -> memref<1x50x64xf32, #tpu.memory_space<vmem>>
        %dma_wait3A_240 = tpu.memref_squeeze %dma_wait3A_239 : memref<1x50x64xf32, #tpu.memory_space<vmem>> -> memref<50x64xf32, #tpu.memory_space<vmem>>
        tpu.wait_dma2 semaphore(%run_scoped3A_208 : memref<!tpu.dma_semaphore, #tpu.memory_space<semaphore_mem>>) src(%dma_wait3A_240 : memref<50x64xf32, #tpu.memory_space<vmem>>) dst(%dma_wait3A_236 : memref<50x64xf32, #tpu.memory_space<hbm>>)
        tpu.yield
      }) : () -> ()
      %mul3A_196 = arith.constant 4 : i32
      %mul3A_197 = arith.muli %add3A_174, %mul3A_196 : i32
      %add3A_198 = arith.addi %mul3A_2, %mul3A_197 : i32
      %add3A_199 = arith.constant 2 : i32
      %add3A_200 = arith.addi %add3A_198, %add3A_199 : i32
      %run_scoped3A_201 = arith.constant 1 : i32
      "tpu.region"() ({
        %run_scoped3A_208 = tpu.sem_alloc : memref<!tpu.dma_semaphore, #tpu.memory_space<semaphore_mem>>
        %dma_start3A_209 = arith.constant 100 : i32
        %dma_start3A_210 = arith.constant 0 : i32
        %dma_start3A_211 = tpu.memref_slice %arg6[%run_scoped3A_201, %dma_start3A_209, %dma_start3A_210] : memref<2x200x128xf32, #tpu.memory_space<vmem>> -> memref<1x50x64xf32, #tpu.memory_space<vmem>>
        %dma_start3A_212 = tpu.memref_squeeze %dma_start3A_211 : memref<1x50x64xf32, #tpu.memory_space<vmem>> -> memref<50x64xf32, #tpu.memory_space<vmem>>
        %dma_start3A_213 = arith.constant 0 : i32
        %dma_start3A_214 = arith.constant 0 : i32
        %dma_start3A_215 = tpu.memref_slice %arg4[%add3A_200, %dma_start3A_213, %dma_start3A_214] : memref<16384x56x128xf32, #tpu.memory_space<hbm>> -> memref<1x50x64xf32, #tpu.memory_space<hbm>>
        %dma_start3A_216 = tpu.memref_squeeze %dma_start3A_215 : memref<1x50x64xf32, #tpu.memory_space<hbm>> -> memref<50x64xf32, #tpu.memory_space<hbm>>
        %dma_start3A_217 = arith.constant 0 : i32
        %dma_start3A_218 = arith.constant 0 : i32
        %dma_start3A_219 = tpu.memref_slice %arg4[%add3A_200, %dma_start3A_217, %dma_start3A_218] : memref<16384x56x128xf32, #tpu.memory_space<hbm>> -> memref<1x50x64xf32, #tpu.memory_space<hbm>>
        %dma_start3A_220 = tpu.memref_squeeze %dma_start3A_219 : memref<1x50x64xf32, #tpu.memory_space<hbm>> -> memref<50x64xf32, #tpu.memory_space<hbm>>
        %dma_start3A_221 = arith.constant 100 : i32
        %dma_start3A_222 = arith.constant 0 : i32
        %dma_start3A_223 = tpu.memref_slice %arg6[%run_scoped3A_201, %dma_start3A_221, %dma_start3A_222] : memref<2x200x128xf32, #tpu.memory_space<vmem>> -> memref<1x50x64xf32, #tpu.memory_space<vmem>>
        %dma_start3A_224 = tpu.memref_squeeze %dma_start3A_223 : memref<1x50x64xf32, #tpu.memory_space<vmem>> -> memref<50x64xf32, #tpu.memory_space<vmem>>
        tpu.enqueue_dma source(%dma_start3A_224 : memref<50x64xf32, #tpu.memory_space<vmem>>) target(%dma_start3A_220 : memref<50x64xf32, #tpu.memory_space<hbm>>) target_semaphore(%run_scoped3A_208 : memref<!tpu.dma_semaphore, #tpu.memory_space<semaphore_mem>>)
        %dma_wait3A_225 = arith.constant 100 : i32
        %dma_wait3A_226 = arith.constant 0 : i32
        %dma_wait3A_227 = tpu.memref_slice %arg6[%run_scoped3A_201, %dma_wait3A_225, %dma_wait3A_226] : memref<2x200x128xf32, #tpu.memory_space<vmem>> -> memref<1x50x64xf32, #tpu.memory_space<vmem>>
        %dma_wait3A_228 = tpu.memref_squeeze %dma_wait3A_227 : memref<1x50x64xf32, #tpu.memory_space<vmem>> -> memref<50x64xf32, #tpu.memory_space<vmem>>
        %dma_wait3A_229 = arith.constant 0 : i32
        %dma_wait3A_230 = arith.constant 0 : i32
        %dma_wait3A_231 = tpu.memref_slice %arg4[%add3A_200, %dma_wait3A_229, %dma_wait3A_230] : memref<16384x56x128xf32, #tpu.memory_space<hbm>> -> memref<1x50x64xf32, #tpu.memory_space<hbm>>
        %dma_wait3A_232 = tpu.memref_squeeze %dma_wait3A_231 : memref<1x50x64xf32, #tpu.memory_space<hbm>> -> memref<50x64xf32, #tpu.memory_space<hbm>>
        %dma_wait3A_233 = arith.constant 0 : i32
        %dma_wait3A_234 = arith.constant 0 : i32
        %dma_wait3A_235 = tpu.memref_slice %arg4[%add3A_200, %dma_wait3A_233, %dma_wait3A_234] : memref<16384x56x128xf32, #tpu.memory_space<hbm>> -> memref<1x50x64xf32, #tpu.memory_space<hbm>>
        %dma_wait3A_236 = tpu.memref_squeeze %dma_wait3A_235 : memref<1x50x64xf32, #tpu.memory_space<hbm>> -> memref<50x64xf32, #tpu.memory_space<hbm>>
        %dma_wait3A_237 = arith.constant 100 : i32
        %dma_wait3A_238 = arith.constant 0 : i32
        %dma_wait3A_239 = tpu.memref_slice %arg6[%run_scoped3A_201, %dma_wait3A_237, %dma_wait3A_238] : memref<2x200x128xf32, #tpu.memory_space<vmem>> -> memref<1x50x64xf32, #tpu.memory_space<vmem>>
        %dma_wait3A_240 = tpu.memref_squeeze %dma_wait3A_239 : memref<1x50x64xf32, #tpu.memory_space<vmem>> -> memref<50x64xf32, #tpu.memory_space<vmem>>
        tpu.wait_dma2 semaphore(%run_scoped3A_208 : memref<!tpu.dma_semaphore, #tpu.memory_space<semaphore_mem>>) src(%dma_wait3A_240 : memref<50x64xf32, #tpu.memory_space<vmem>>) dst(%dma_wait3A_236 : memref<50x64xf32, #tpu.memory_space<hbm>>)
        tpu.yield
      }) : () -> ()
      %mul3A_202 = arith.constant 4 : i32
      %mul3A_203 = arith.muli %add3A_174, %mul3A_202 : i32
      %add3A_204 = arith.addi %mul3A_2, %mul3A_203 : i32
      %add3A_205 = arith.constant 3 : i32
      %add3A_206 = arith.addi %add3A_204, %add3A_205 : i32
      %run_scoped3A_207 = arith.constant 1 : i32
      "tpu.region"() ({
        %run_scoped3A_208 = tpu.sem_alloc : memref<!tpu.dma_semaphore, #tpu.memory_space<semaphore_mem>>
        %dma_start3A_209 = arith.constant 150 : i32
        %dma_start3A_210 = arith.constant 0 : i32
        %dma_start3A_211 = tpu.memref_slice %arg6[%run_scoped3A_207, %dma_start3A_209, %dma_start3A_210] : memref<2x200x128xf32, #tpu.memory_space<vmem>> -> memref<1x50x64xf32, #tpu.memory_space<vmem>>
        %dma_start3A_212 = tpu.memref_squeeze %dma_start3A_211 : memref<1x50x64xf32, #tpu.memory_space<vmem>> -> memref<50x64xf32, #tpu.memory_space<vmem>>
        %dma_start3A_213 = arith.constant 0 : i32
        %dma_start3A_214 = arith.constant 0 : i32
        %dma_start3A_215 = tpu.memref_slice %arg4[%add3A_206, %dma_start3A_213, %dma_start3A_214] : memref<16384x56x128xf32, #tpu.memory_space<hbm>> -> memref<1x50x64xf32, #tpu.memory_space<hbm>>
        %dma_start3A_216 = tpu.memref_squeeze %dma_start3A_215 : memref<1x50x64xf32, #tpu.memory_space<hbm>> -> memref<50x64xf32, #tpu.memory_space<hbm>>
        %dma_start3A_217 = arith.constant 0 : i32
        %dma_start3A_218 = arith.constant 0 : i32
        %dma_start3A_219 = tpu.memref_slice %arg4[%add3A_206, %dma_start3A_217, %dma_start3A_218] : memref<16384x56x128xf32, #tpu.memory_space<hbm>> -> memref<1x50x64xf32, #tpu.memory_space<hbm>>
        %dma_start3A_220 = tpu.memref_squeeze %dma_start3A_219 : memref<1x50x64xf32, #tpu.memory_space<hbm>> -> memref<50x64xf32, #tpu.memory_space<hbm>>
        %dma_start3A_221 = arith.constant 150 : i32
        %dma_start3A_222 = arith.constant 0 : i32
        %dma_start3A_223 = tpu.memref_slice %arg6[%run_scoped3A_207, %dma_start3A_221, %dma_start3A_222] : memref<2x200x128xf32, #tpu.memory_space<vmem>> -> memref<1x50x64xf32, #tpu.memory_space<vmem>>
        %dma_start3A_224 = tpu.memref_squeeze %dma_start3A_223 : memref<1x50x64xf32, #tpu.memory_space<vmem>> -> memref<50x64xf32, #tpu.memory_space<vmem>>
        tpu.enqueue_dma source(%dma_start3A_224 : memref<50x64xf32, #tpu.memory_space<vmem>>) target(%dma_start3A_220 : memref<50x64xf32, #tpu.memory_space<hbm>>) target_semaphore(%run_scoped3A_208 : memref<!tpu.dma_semaphore, #tpu.memory_space<semaphore_mem>>)
        %dma_wait3A_225 = arith.constant 150 : i32
        %dma_wait3A_226 = arith.constant 0 : i32
        %dma_wait3A_227 = tpu.memref_slice %arg6[%run_scoped3A_207, %dma_wait3A_225, %dma_wait3A_226] : memref<2x200x128xf32, #tpu.memory_space<vmem>> -> memref<1x50x64xf32, #tpu.memory_space<vmem>>
        %dma_wait3A_228 = tpu.memref_squeeze %dma_wait3A_227 : memref<1x50x64xf32, #tpu.memory_space<vmem>> -> memref<50x64xf32, #tpu.memory_space<vmem>>
        %dma_wait3A_229 = arith.constant 0 : i32
        %dma_wait3A_230 = arith.constant 0 : i32
        %dma_wait3A_231 = tpu.memref_slice %arg4[%add3A_206, %dma_wait3A_229, %dma_wait3A_230] : memref<16384x56x128xf32, #tpu.memory_space<hbm>> -> memref<1x50x64xf32, #tpu.memory_space<hbm>>
        %dma_wait3A_232 = tpu.memref_squeeze %dma_wait3A_231 : memref<1x50x64xf32, #tpu.memory_space<hbm>> -> memref<50x64xf32, #tpu.memory_space<hbm>>
        %dma_wait3A_233 = arith.constant 0 : i32
        %dma_wait3A_234 = arith.constant 0 : i32
        %dma_wait3A_235 = tpu.memref_slice %arg4[%add3A_206, %dma_wait3A_233, %dma_wait3A_234] : memref<16384x56x128xf32, #tpu.memory_space<hbm>> -> memref<1x50x64xf32, #tpu.memory_space<hbm>>
        %dma_wait3A_236 = tpu.memref_squeeze %dma_wait3A_235 : memref<1x50x64xf32, #tpu.memory_space<hbm>> -> memref<50x64xf32, #tpu.memory_space<hbm>>
        %dma_wait3A_237 = arith.constant 150 : i32
        %dma_wait3A_238 = arith.constant 0 : i32
        %dma_wait3A_239 = tpu.memref_slice %arg6[%run_scoped3A_207, %dma_wait3A_237, %dma_wait3A_238] : memref<2x200x128xf32, #tpu.memory_space<vmem>> -> memref<1x50x64xf32, #tpu.memory_space<vmem>>
        %dma_wait3A_240 = tpu.memref_squeeze %dma_wait3A_239 : memref<1x50x64xf32, #tpu.memory_space<vmem>> -> memref<50x64xf32, #tpu.memory_space<vmem>>
        tpu.wait_dma2 semaphore(%run_scoped3A_208 : memref<!tpu.dma_semaphore, #tpu.memory_space<semaphore_mem>>) src(%dma_wait3A_240 : memref<50x64xf32, #tpu.memory_space<vmem>>) dst(%dma_wait3A_236 : memref<50x64xf32, #tpu.memory_space<hbm>>)
        tpu.yield
      }) : () -> ()
    }
    %scan3A_11 = arith.constant 32 : i32
    return
  }
}

module attributes {stable_mosaic.version = 14 : i64} {
  func.func @_transform_body(%arg0: memref<1000x64xf32, #tpu.memory_space<vmem>>, %arg1: memref<64x64xf32, #tpu.memory_space<vmem>>, %arg2: memref<1x64xf32, #tpu.memory_space<vmem>>, %arg3: memref<1x64xf32, #tpu.memory_space<vmem>>, %arg4: memref<1x64xf32, #tpu.memory_space<vmem>>, %arg5: memref<64x64xf32, #tpu.memory_space<vmem>>, %arg6: memref<1x64xf32, #tpu.memory_space<vmem>>, %arg7: memref<1x64xf32, #tpu.memory_space<vmem>>, %arg8: memref<1x64xf32, #tpu.memory_space<vmem>>, %arg9: memref<1000x128xf32, #tpu.memory_space<vmem>>) attributes {dimension_semantics = [], scalar_prefetch = 0 : i64, scratch_operands = 0 : i64, tpu.core_type = #tpu.core_type<tc>} {
    %get3A = arith.constant 0 : index
    %get3A_0 = arith.constant 0 : index
    %get3A_1 = vector.load %arg0[%get3A, %get3A_0] : memref<1000x64xf32, #tpu.memory_space<vmem>>, vector<1000x64xf32>
    %get3A_2 = arith.constant 0 : index
    %get3A_3 = arith.constant 0 : index
    %get3A_4 = vector.load %arg1[%get3A_2, %get3A_3] : memref<64x64xf32, #tpu.memory_space<vmem>>, vector<64x64xf32>
    %dot_general3A = arith.constant dense<0.000000e+00> : vector<1000x64xf32>
    %dot_general3A_5 = tpu.matmul %get3A_1, %get3A_4, %dot_general3A {dimension_numbers = #tpu.dot_dimension_numbers<[1], [0], [0], [1], [0, 0, 1, 1], [], []>, transpose_lhs_hint = false} : vector<1000x64xf32>, vector<64x64xf32>, vector<1000x64xf32> -> vector<1000x64xf32>
    %get3A_6 = arith.constant 0 : index
    %get3A_7 = arith.constant 0 : index
    %get3A_8 = vector.load %arg2[%get3A_6, %get3A_7] : memref<1x64xf32, #tpu.memory_space<vmem>>, vector<1x64xf32>
    %add3A = vector.broadcast %get3A_8 : vector<1x64xf32> to vector<1000x64xf32>
    %add3A_9 = arith.addf %dot_general3A_5, %add3A : vector<1000x64xf32>
    %get3A_10 = arith.constant 0 : index
    %get3A_11 = arith.constant 0 : index
    %get3A_12 = vector.load %arg3[%get3A_10, %get3A_11] : memref<1x64xf32, #tpu.memory_space<vmem>>, vector<1x64xf32>
    %get3A_13 = arith.constant 0 : index
    %get3A_14 = arith.constant 0 : index
    %get3A_15 = vector.load %arg4[%get3A_13, %get3A_14] : memref<1x64xf32, #tpu.memory_space<vmem>>, vector<1x64xf32>
    %reduce_sum3A = arith.constant dense<0.000000e+00> : vector<1000xf32>
    %reduce_sum3A_16 = vector.multi_reduction <add>, %add3A_9, %reduce_sum3A [1] : vector<1000x64xf32> to vector<1000xf32>
    %broadcast_in_dim3A = vector.shape_cast %reduce_sum3A_16 : vector<1000xf32> to vector<1000x1xf32>
    %div3A = arith.constant 6.400000e+01 : f32
    %div3A_17 = vector.broadcast %div3A : f32 to vector<1000x1xf32>
    %div3A_18 = arith.divf %broadcast_in_dim3A, %div3A_17 : vector<1000x1xf32>
    %sub3A = vector.broadcast %div3A_18 : vector<1000x1xf32> to vector<1000x64xf32>
    %sub3A_19 = arith.subf %add3A_9, %sub3A : vector<1000x64xf32>
    %integer_pow3A = arith.mulf %sub3A_19, %sub3A_19 : vector<1000x64xf32>
    %reduce_sum3A_20 = arith.constant dense<0.000000e+00> : vector<1000xf32>
    %reduce_sum3A_21 = vector.multi_reduction <add>, %integer_pow3A, %reduce_sum3A_20 [1] : vector<1000x64xf32> to vector<1000xf32>
    %broadcast_in_dim3A_22 = vector.shape_cast %reduce_sum3A_21 : vector<1000xf32> to vector<1000x1xf32>
    %div3A_23 = arith.constant 6.400000e+01 : f32
    %div3A_24 = vector.broadcast %div3A_23 : f32 to vector<1000x1xf32>
    %div3A_25 = arith.divf %broadcast_in_dim3A_22, %div3A_24 : vector<1000x1xf32>
    %sub3A_26 = vector.broadcast %div3A_18 : vector<1000x1xf32> to vector<1000x64xf32>
    %sub3A_27 = arith.subf %add3A_9, %sub3A_26 : vector<1000x64xf32>
    %add3A_28 = arith.constant 9.99999974E-6 : f32
    %add3A_29 = vector.broadcast %add3A_28 : f32 to vector<1000x1xf32>
    %add3A_30 = arith.addf %div3A_25, %add3A_29 : vector<1000x1xf32>
    %sqrt3A = math.sqrt %add3A_30 : vector<1000x1xf32>
    %div3A_31 = vector.broadcast %sqrt3A : vector<1000x1xf32> to vector<1000x64xf32>
    %div3A_32 = arith.divf %sub3A_27, %div3A_31 : vector<1000x64xf32>
    %mul3A = vector.broadcast %get3A_12 : vector<1x64xf32> to vector<1000x64xf32>
    %mul3A_33 = arith.mulf %div3A_32, %mul3A : vector<1000x64xf32>
    %add3A_34 = vector.broadcast %get3A_15 : vector<1x64xf32> to vector<1000x64xf32>
    %add3A_35 = arith.addf %mul3A_33, %add3A_34 : vector<1000x64xf32>
    %max3A = arith.constant 0.000000e+00 : f32
    %max3A_36 = vector.broadcast %max3A : f32 to vector<1000x64xf32>
    %max3A_37 = arith.maximumf %add3A_35, %max3A_36 : vector<1000x64xf32>
    %get3A_38 = arith.constant 0 : index
    %get3A_39 = arith.constant 0 : index
    %get3A_40 = vector.load %arg5[%get3A_38, %get3A_39] : memref<64x64xf32, #tpu.memory_space<vmem>>, vector<64x64xf32>
    %dot_general3A_41 = arith.constant dense<0.000000e+00> : vector<1000x64xf32>
    %dot_general3A_42 = tpu.matmul %max3A_37, %get3A_40, %dot_general3A_41 {dimension_numbers = #tpu.dot_dimension_numbers<[1], [0], [0], [1], [0, 0, 1, 1], [], []>, transpose_lhs_hint = false} : vector<1000x64xf32>, vector<64x64xf32>, vector<1000x64xf32> -> vector<1000x64xf32>
    %get3A_43 = arith.constant 0 : index
    %get3A_44 = arith.constant 0 : index
    %get3A_45 = vector.load %arg6[%get3A_43, %get3A_44] : memref<1x64xf32, #tpu.memory_space<vmem>>, vector<1x64xf32>
    %add3A_46 = vector.broadcast %get3A_45 : vector<1x64xf32> to vector<1000x64xf32>
    %add3A_47 = arith.addf %dot_general3A_42, %add3A_46 : vector<1000x64xf32>
    %get3A_48 = arith.constant 0 : index
    %get3A_49 = arith.constant 0 : index
    %get3A_50 = vector.load %arg7[%get3A_48, %get3A_49] : memref<1x64xf32, #tpu.memory_space<vmem>>, vector<1x64xf32>
    %get3A_51 = arith.constant 0 : index
    %get3A_52 = arith.constant 0 : index
    %get3A_53 = vector.load %arg8[%get3A_51, %get3A_52] : memref<1x64xf32, #tpu.memory_space<vmem>>, vector<1x64xf32>
    %reduce_sum3A_54 = arith.constant dense<0.000000e+00> : vector<1000xf32>
    %reduce_sum3A_55 = vector.multi_reduction <add>, %add3A_47, %reduce_sum3A_54 [1] : vector<1000x64xf32> to vector<1000xf32>
    %broadcast_in_dim3A_56 = vector.shape_cast %reduce_sum3A_55 : vector<1000xf32> to vector<1000x1xf32>
    %div3A_57 = arith.constant 6.400000e+01 : f32
    %div3A_58 = vector.broadcast %div3A_57 : f32 to vector<1000x1xf32>
    %div3A_59 = arith.divf %broadcast_in_dim3A_56, %div3A_58 : vector<1000x1xf32>
    %sub3A_60 = vector.broadcast %div3A_59 : vector<1000x1xf32> to vector<1000x64xf32>
    %sub3A_61 = arith.subf %add3A_47, %sub3A_60 : vector<1000x64xf32>
    %integer_pow3A_62 = arith.mulf %sub3A_61, %sub3A_61 : vector<1000x64xf32>
    %reduce_sum3A_63 = arith.constant dense<0.000000e+00> : vector<1000xf32>
    %reduce_sum3A_64 = vector.multi_reduction <add>, %integer_pow3A_62, %reduce_sum3A_63 [1] : vector<1000x64xf32> to vector<1000xf32>
    %broadcast_in_dim3A_65 = vector.shape_cast %reduce_sum3A_64 : vector<1000xf32> to vector<1000x1xf32>
    %div3A_66 = arith.constant 6.400000e+01 : f32
    %div3A_67 = vector.broadcast %div3A_66 : f32 to vector<1000x1xf32>
    %div3A_68 = arith.divf %broadcast_in_dim3A_65, %div3A_67 : vector<1000x1xf32>
    %sub3A_69 = vector.broadcast %div3A_59 : vector<1000x1xf32> to vector<1000x64xf32>
    %sub3A_70 = arith.subf %add3A_47, %sub3A_69 : vector<1000x64xf32>
    %add3A_71 = arith.constant 9.99999974E-6 : f32
    %add3A_72 = vector.broadcast %add3A_71 : f32 to vector<1000x1xf32>
    %add3A_73 = arith.addf %div3A_68, %add3A_72 : vector<1000x1xf32>
    %sqrt3A_74 = math.sqrt %add3A_73 : vector<1000x1xf32>
    %div3A_75 = vector.broadcast %sqrt3A_74 : vector<1000x1xf32> to vector<1000x64xf32>
    %div3A_76 = arith.divf %sub3A_70, %div3A_75 : vector<1000x64xf32>
    %mul3A_77 = vector.broadcast %get3A_50 : vector<1x64xf32> to vector<1000x64xf32>
    %mul3A_78 = arith.mulf %div3A_76, %mul3A_77 : vector<1000x64xf32>
    %add3A_79 = vector.broadcast %get3A_53 : vector<1x64xf32> to vector<1000x64xf32>
    %add3A_80 = arith.addf %mul3A_78, %add3A_79 : vector<1000x64xf32>
    %broadcast_in_dim3A_81 = arith.constant 0.000000e+00 : f32
    %broadcast_in_dim3A_82 = vector.broadcast %broadcast_in_dim3A_81 : f32 to vector<1000x64xf32>
    %concatenate3A = tpu.concatenate %add3A_80, %broadcast_in_dim3A_82 in 1 : vector<1000x64xf32>, vector<1000x64xf32> -> vector<1000x128xf32>
    %swap3A = arith.constant 0 : index
    %swap3A_83 = arith.constant 0 : index
    %swap3A_84 = vector.load %arg9[%swap3A, %swap3A_83] : memref<1000x128xf32, #tpu.memory_space<vmem>>, vector<1000x128xf32>
    tpu.vector_store %arg9[%swap3A, %swap3A_83], %concatenate3A {strides = array<i32>} : memref<1000x128xf32, #tpu.memory_space<vmem>>, vector<1000x128xf32>,
    return
  }
}

</mosaic_0001>

<sc_bundles>
// kernel: kernel.4.cloned.1.call-start
scs
__scs_entry_jumppad:
0x0: {  	(pc) =	sbr.rel $0x88, $3  }
0x1: {  	(tag) =	ssettag $0x0;
	lr =	simm.s32 $0x1  }
0x2: {  	[smem:$0x3F97] =	sst lr;
	_ =	strace $0xD0000000  }
0x3: {  	_ = 	snop  }
0x4: {  	_ = 	snop  }
0x5: {  	_ = 	snop  }
0x6: {  	_ = 	snop  }
0x7: {  	_ = 	snop  }
__scs_overlays_trampoline_lowered:
0x8: {  	[smem:$0x3FA6] =	sst s0  }
0x9: {  	[smem:$0x3FA7] =	sst s1  }
0xa: {  	[smem:$0x3FA8] =	sst s2  }
0xb: {  	[smem:$0x3FA9] =	sst s3  }
0xc: {  	[smem:$0x3FAA] =	sst s4  }
0xd: {  	[smem:$0x3FAB] =	sst s5  }
0xe: {  	[smem:$0x3FAC] =	sst s6  }
0xf: {  	[smem:$0x3FAD] =	sst s7  }
0x10: {  	[smem:$0x3FAE] =	sst s8  }
0x11: {  	[smem:$0x3FAF] =	sst s9;
	s0 =	simm.s32 @!p0 $0x0  }
0x12: {  	s1 =	sld [smem:$0x3F95];
	s0 =	simm.s32 @p0 $0x1  }
0x13: {  	[smem:$0x3FB0] =	sst s0;
	s0 =	simm.s32 @!p1 $0x0  }
0x14: {  	s2 =	sld [smem:$0x3F94];
	s0 =	simm.s32 @p1 $0x1  }
0x15: {  	[smem:$0x3FB1] =	sst s0;
	s0 =	simm.s32 @!p2 $0x0  }
0x16: {  	s3 =	sld [smem:$0x3FDB];
	s0 =	simm.s32 @p2 $0x1  }
0x17: {  	s4 =	simm.s32 $0x1BF5;
	[smem:$0x3FB3] =	sst s0  }
0x18: {  	s0 =	sld [smem:$0x3F96];
	_ =	swait.ge [sflag:s4], $0x0  }
0x19: {  	s7 =	sld [smem:$0x3F97]  }
0x1a: {  	s8 =	sadd.s32 $0xFFFFE003, lr  }
0x1b: {  	s9 =	sadd.s32 $0xFFFFFEF7, lr;
	s5 =	simm.s32 $0xFFFFFFFF;
	p2 =	slt.u32 s8, $0xFFFFF086  }
0x1c: {  	p1 =	slt.u32 s9, $0xF7A;
	s5 =	simm.s32 @!p2 $0x0  }
0x1d: {  	s5 =	simm.s32 @p1 $0x1;
	p0 =	seq.s32 s7, s2  }
0x1e: {  	s7 =	smul.u32 @!p0 $0xF7A, s2;
	p2 =	seq.s32 @!p0 s5, $0x0  }
0x1f: {  	s9 =	smul.u32 $0xF7A, s1;
	s8 =	simm.s32 @!p0 $0x1BF5;
	p2 =	por !p2, p0  }
0x20: {  	[sflag:s8] =	ssyncset.s32 @!p0 $0xFFFFF086;
	s6 =	sadd.s32 @!p0 s3, s7;
	s7 =	simm.s32 @!p0 $0x108  }
0x21: {  	s3 =	sadd.s32 s3, s9;
	s6 =	sadd.s32 @!p0 $0x88, s6;
	s7 =	simm.s32 @p2 $0x1082  }
0x22: {  	[simem:s7], [sflag:s8] =	dma.local @!p0 [hbm:s6], $0xF7A  }
0x23: {  	s9 =	sor.u32 $0xD0000000, s2;
	s6 =	simm.s32 $0x108;
	_ =	swait.ge @!p0 [sflag:s8], $0x0  }
0x24: {  	s3 =	sadd.s32 $0x88, s3;
	s6 =	simm.s32 @!p1 $0x1082;
	[sflag:s4] =	ssyncset.s32 $0xFFFFF086  }
0x25: {  	[simem:s6], [sflag:s4] =	dma.local [hbm:s3], $0xF7A  }
0x26: {  	[smem:$0x3F97] =	sst s1;
	(tag) =	ssettag s2;
	_ =	strace s9  }
0x27: {  	s1 =	sld [smem:$0x3FA7]  }
0x28: {  	s2 =	sld [smem:$0x3FA8]  }
0x29: {  	s4 =	sld [smem:$0x3FAA]  }
0x2a: {  	p0 =	seq.s32 s5, $0x0;
	s5 =	sld [smem:$0x3FAB]  }
0x2b: {  	s6 =	sld [smem:$0x3FAC]  }
0x2c: {  	s7 =	sld [smem:$0x3FAD]  }
0x2d: {  	s3 =	simm.s32 $0x108;
	s8 =	sld [smem:$0x3FAE]  }
0x2e: {  	s3 =	simm.s32 @!p0 $0x1082;
	s9 =	sld [smem:$0x3FAF]  }
0x2f: {  	lr =	sadd.s32 s0, s3;
	s0 =	sld [smem:$0x3FA6]  }
0x30: {  	s3 =	sld [smem:$0x3FA9]  }
0x31: {  	[smem:$0x3FB2] =	sst s10  }
0x32: {  	s10 =	sld [smem:$0x3FB0];
	_ =	sdelay $0x3  }
0x33: {  	p0 =	seq.s32 s10, $0x1;
	s10 =	sld [smem:$0x3FB2];
	_ =	sdelay $0x3  }
0x34: {  	[smem:$0x3FB2] =	sst s10  }
0x35: {  	s10 =	sld [smem:$0x3FB1];
	_ =	sdelay $0x3  }
0x36: {  	p1 =	seq.s32 s10, $0x1;
	s10 =	sld [smem:$0x3FB2];
	_ =	sdelay $0x3  }
0x37: {  	[smem:$0x3FB2] =	sst s10  }
0x38: {  	s10 =	sld [smem:$0x3FB3]  }
0x39: {  	_ = 	snop;
	(pc) =	sbr.ind lr, $3  }
0x3a: {  	_ = 	snop  }
0x3b: {  	_ = 	snop  }
0x3c: {  	p2 =	seq.s32 s10, $0x1;
	s10 =	sld [smem:$0x3FB2]  }
0x3d: {  	_ =	shalt  }
0x3e: {  	_ =	shalt  }
0x3f: {  	_ =	shalt  }
0x40: {  	_ =	shalt  }
0x41: {  	_ =	shalt  }
0x42: {  	_ =	shalt  }
0x43: {  	_ =	shalt  }
0x44: {  	_ =	shalt  }
0x45: {  	_ =	shalt  }
0x46: {  	_ =	shalt  }
0x47: {  	_ =	shalt  }
0x48: {  	_ =	shalt  }
0x49: {  	_ =	shalt  }
0x4a: {  	_ =	shalt  }
0x4b: {  	_ =	shalt  }
0x4c: {  	_ =	shalt  }
0x4d: {  	_ =	shalt  }
0x4e: {  	_ =	shalt  }
0x4f: {  	_ =	shalt  }
0x50: {  	_ =	shalt  }
0x51: {  	_ =	shalt  }
0x52: {  	_ =	shalt  }
0x53: {  	_ =	shalt  }
0x54: {  	_ =	shalt  }
0x55: {  	_ =	shalt  }
0x56: {  	_ =	shalt  }
0x57: {  	_ =	shalt  }
0x58: {  	_ =	shalt  }
0x59: {  	_ =	shalt  }
0x5a: {  	_ =	shalt  }
0x5b: {  	_ =	shalt  }
0x5c: {  	_ =	shalt  }
0x5d: {  	_ =	shalt  }
0x5e: {  	_ =	shalt  }
0x5f: {  	_ =	shalt  }
0x60: {  	_ =	shalt  }
0x61: {  	_ =	shalt  }
0x62: {  	_ =	shalt  }
0x63: {  	_ =	shalt  }
0x64: {  	_ =	shalt  }
0x65: {  	_ =	shalt  }
0x66: {  	_ =	shalt  }
0x67: {  	_ =	shalt  }
0x68: {  	_ =	shalt  }
0x69: {  	_ =	shalt  }
0x6a: {  	_ =	shalt  }
0x6b: {  	_ =	shalt  }
0x6c: {  	_ =	shalt  }
0x6d: {  	_ =	shalt  }
0x6e: {  	_ =	shalt  }
0x6f: {  	_ =	shalt  }
0x70: {  	_ =	shalt  }
0x71: {  	_ =	shalt  }
0x72: {  	_ =	shalt  }
0x73: {  	_ =	shalt  }
0x74: {  	_ =	shalt  }
0x75: {  	_ =	shalt  }
0x76: {  	_ =	shalt  }
0x77: {  	_ =	shalt  }
0x78: {  	_ =	shalt  }
0x79: {  	_ =	shalt  }
0x7a: {  	_ =	shalt  }
0x7b: {  	_ =	shalt  }
0x7c: {  	_ =	shalt  }
0x7d: {  	_ =	shalt  }
0x7e: {  	_ =	shalt  }
0x7f: {  	_ =	shalt  }
0x80: {  	_ =	shalt  }
0x81: {  	_ =	shalt  }
0x82: {  	_ =	shalt  }
0x83: {  	_ =	shalt  }
0x84: {  	_ =	shalt  }
0x85: {  	_ =	shalt  }
0x86: {  	_ =	shalt  }
0x87: {  	_ =	shalt  }
.Lfunc_end0:
.L_simem_size_0:
called_computation.1_lowered:
.L_overlay_start_0:
0x88: {  	s2 =	sld [smem:$0x3FD9]  }
0x89: {  	s3 =	sld [smem:$0x3FFE];
	_ =	sdelay $0x1  }
0x8a: {  	s1 =	srdreg.scid  }
0x8b: {  	s0 =	sand.u32 $0x1, s1  }
0x8c: {  	s17 =	sshll.u32 s0, $0xA;
	s2 =	sadd.s32 s3, s2  }
0x8d: {  	s2 =	sadd.s32 s2, s17  }
0x8e: {  	[smem:$0x3FBE] =	sst s2  }
0x8f: {  	_ = 	snop  }
0x90: {  	s2 =	sld [smem:$0x3FD0];
	(tm) =	ssettm $0x1  }
0x91: {  	s18 =	sld [smem:$0x3FFB];
	_ =	sdelay $0x3  }
0x92: {  	_ =	strace s18  }
0x93: {  	s3 =	sld [smem:$0x3FFC];
	_ =	sdelay $0x3  }
0x94: {  	_ =	strace s3  }
0x95: {  	s3 =	sld [smem:$0x3FFD];
	_ =	sdelay $0x3  }
0x96: {  	_ =	strace s3  }
0x97: {  	_ =	strace $0x8FFFFFFF  }
0x98: {  	s19 =	sld [smem:$0x3FDB];
	_ =	sdelay $0x1  }
0x99: {  	s4 =	simm.s32 $_scs_section_size  }
0x9a: {  	s5 =	simm.s32 $_size__tile_overlayer_lowered;
	s6 =	simm.s32 $_tile_overlayer_lowered  }
0x9b: {  	s22 =	simm.s32 $0x1BFF;
	s21 =	sshll.u32 s6, $0x1;
	s3 =	sadd.s32 s4, s19  }
0x9c: {  	s7 =	simm.s32 $0x0;
	s20 =	sshll.u32 s5, $0x1;
	s5 =	sadd.s32 s21, s3  }
0x9d: {  	[timem:s7], [sflag:s22] =	dma.local [hbm:s5], s20  }
0x9e: {  	_ =	swait.ge [sflag:s22], s20  }
0x9f: {  	s4 =	ssub.s32 $0x0, s20;
	[sflag:s22] =	ssyncset.done $0x0  }
0xa0: {  	[sflag:s22] =	ssyncadd.s32 s4;
	_ =	sdelay $0x1  }
0xa1: {  	s23 =	simm.s32 $0x1B8B  }
0xa2: {  	_ =	swait.ge [sflag:s23], $0x1  }
0xa3: {  	[sflag:s23] =	ssyncset.done $0x0  }
0xa4: {  	s25 =	simm.s32 $0x1B8E;
	s24 =	sld [smem:$0x3FFE];
	[sflag:s23] =	ssyncadd.s32 $0xFFFFFFFF  }
0xa5: {  	s26 =	simm.s32 $execute0_lowered;
	[smem:$0x3FD2] =	sst s25  }
0xa6: {  	s5 =	sshll.u32 s26, $0x1;
	_ =	strace $0x80000046;
	[dreg:$0x1] =	wrdreg $0xFFFFFFFF  }
0xa7: {  	s28 =	simm.s32 $_size_execute0_lowered;
	s3 =	sadd.s32 s3, s5;
	[dreg:$0x0] =	wrdreg $0x0  }
0xa8: {  	s5 =	sshll.u32 s28, $0x1;
	[dreg:$0x2] =	wrdreg s3  }
0xa9: {  	[dreg:$0x3] =	wrdreg s5  }
0xaa: {  	[dreg:$0x4] =	wrdreg $0xC0  }
0xab: {  	_ =	task [dreg:s7], $0x5FFFF  }
0xac: {  	[dreg:$0x1] =	wrdreg $0xFFFFFFFF  }
0xad: {  	[dreg:$0x0] =	wrdreg $0x60  }
0xae: {  	[dreg:$0x2] =	wrdreg s24  }
0xaf: {  	[dreg:$0x3] =	wrdreg s2  }
0xb0: {  	[dreg:$0x4] =	wrdreg $0x12C000  }
0xb1: {  	[dreg:$0x5] =	wrdreg $0x9  }
0xb2: {  	_ =	task.clear_ibuf [dreg:s7], $0x6FFFF;
	_ =	strace $0x90000046  }
0xb3: {  	s29 =	simm.s32 $0x9;
	_ =	strace $0x80000048  }
0xb4: {  	_ =	swait.ge [sflag:s29], $0x1  }
0xb5: {  	[sflag:s29] =	ssyncadd.s32 $0xFFFFFFFF  }
0xb6: {  	_ =	strace $0x90000048  }
0xb7: {  	_ =	sfence  }
0xb8: {  	s30 =	sld [smem:$0x0];
	_ =	sdelay $0x2  }
0xb9: {  	s31 =	sshll.u32 s1, $0xD;
	s1 =	sshrl.u32 s1, $0x2  }
0xba: {  	s3 =	sand.u32 $0x4000, s31;
	s1 =	sadd.s32 s1, s30  }
0xbb: {  	s0 =	sor.u32 s3, s0;
	s1 =	sshll.u32 s1, $0x11  }
0xbc: {  	s0 =	sor.u32 s1, s0  }
0xbd: {  	s0 =	sadd.s32 $0x8F2B, s0  }
0xbe: {  	[sflag:s0] =	ssyncadd.remote.s32 $0x1  }
0xbf: {  	_ =	sfence.sel $0xFFFF  }
0xc0: {  	[dreg:$0x0] =	wrdreg $0xFFFFFFFF;
	(pc) =	sbr.abs _section_cstart, $3  }
0xc1: {  	[dreg:$0x1] =	wrdreg $0xFFFFFFFF  }
0xc2: {  	_ =	task.clear_ibuf [dreg:s7], $0x2FFFF;
	_ =	strace $0x9FFFFFFF  }
0xc3: {  	(tm) =	ssettm $0x7FFFFFFF  }
tec
execute0_lowered:
.L_overlay_start_1:
0x0: {  	(tag) =	ssettag $0x1  }
0x1: {  	s8 =	rddreg [dreg:$0x0]  }
0x2: {  	s6 =	rddreg [dreg:$0x1]  }
0x3: {  	s1 =	rddreg [dreg:$0x2]  }
0x4: {  	s0 =	rddreg [dreg:$0x3]  }
0x5: {  	s2 =	simm.s32 $0x0;
	s3 =	srdreg.scid;
	s9 =	stileid.u32  }
0x6: {  	s12 =	simm.s32 $0xC8;
	s13 =	simm.s32 $0x1;
	s14 =	simm.s32 $0xC800  }
0x7: {  	s15 =	simm.s32 $0x6400;
	s16 =	simm.s32 $0x0;
	[smem:$0x7FF] =	sst s2  }
0x8: {  	s3 =	sand.u32 $0x1, s3;
	s4 =	sshll.u32 s9, $0x1;
	p0 =	sne.s32 s9, $0x0  }
0x9: {  	_ =	strace $0x80000047;
	s5 =	ssub.s32 $0x2, s3;
	s7 =	sor.u32 s3, s4  }
0xa: {  	s3 =	sadd.s32 $0x1600, s8;
	s10 =	sshrl.u32 s5, $0x1;
	s11 =	smul.u32 $0xC80, s7  }
0xb: {  	s4 =	sadd.s32 $0x5600, s8;
	s10 =	ssub.s32 s5, s10;
	s5 =	sshll.u32 s7, $0x9  }
0xc: {  	s7 =	sadd.s32 $0x5980, s8;
	s8 =	sadd.s32 $0x5D00, s8;
	s6 =	sadd.s32 s6, s11  }
0xd: {  	s9 =	smax.u32 s10, $0x1;
	s10 =	sshrl.u32 @!p0 s1, $0x3;
	s11 =	simm.s32 $0x2  }
.LBB2_1:
0xe: {  	s17 =	simm.s32 @!p0 $0x1C02  }
0xf: {  	[spmem:s10], [sflag:s17] =	dma.local @!p0 [hbm:s3], $0x3E80  }
0x10: {  	s17 =	simm.s32 @!p0 $0x2  }
0x11: {  	_ =	swait.ge @!p0 [sflag:s17], $0x3E80  }
0x12: {  	[sflag:s17] =	ssyncset.done @!p0 $0x0  }
0x13: {  	[sflag:s17] =	ssyncadd.s32 @!p0 $0xFFFFC180  }
0x14: {  	[tilespmem:s2], [sflag:$0x2] =	stream.linear.gather [hbm4b:s6+s2], $0x6400, $0x38;
	[tilespmem:$0x14B40] =	vst v63  }
0x15: {  	_ =	swait.ge [sflag:s11], $0x6400  }
0x16: {  	[sflag:s11] =	ssyncset.done $0x0  }
0x17: {  	[sflag:s11] =	ssyncadd.s32 $0xFFFF9C00  }
0x18: {  	s17 =	simm.s32 $0x0;
	[bflag:$0x0] =	sbarrier.arrive $0xFFFF  }
.LBB2_2:
0x19: {  	s19 =	smul.u32 $0xC80, s17  }
0x1a: {  	s18 =	sshll.u32 s17, $0x2  }
0x1b: {  	s22 =	simm.s32 $0x6400;
	s20 =	sor.u32 $0x1, s18;
	s19 =	sshra.s32 s19, $0x2  }
0x1c: {  	[tilespmem:s22], [sflag:$0x1] =	stream.indirect.gather [spmem:s1], $0x80, s19, s12, $0xb8;
	[tilespmem:$0x14B40] =	vst v63  }
0x1d: {  	s31 =	sshll.u32 s17, $0x4;
	s21 =	smul.u32 $0x320, s20;
	_ =	swait.ge [sflag:s13], $0x6400  }
0x1e: {  	s19 =	sadd.s32 s5, s31;
	[sflag:s13] =	ssyncset.done $0x0  }
0x1f: {  	s23 =	sshra.s32 s21, $0x2;
	s21 =	smul.u32 $0x380, s19;
	[sflag:s13] =	ssyncadd.s32 $0xFFFF9C00  }
0x20: {  	[tilespmem:s14], [sflag:$0x1] =	stream.indirect.gather [spmem:s1], $0x80, s23, s12, $0xb8;
	[tilespmem:$0x14B40] =	vst v63  }
0x21: {  	s23 =	sadd.s32 s4, s21  }
0x22: {  	s24 =	simm.s32 $0x10;
	s25 =	simm.s32 $0x6480;
	s26 =	sadd.s32 $0x0, s23  }
.LBB2_3:
0x23: {  	[hbm4b:s26+s2] =	stream.linear.scatter [tilespmem:s22], [sflag:$0x2], $0x40, $0x38;
	[tilespmem:$0x14B40] =	vst v63  }
0x24: {  	s26 =	smov.u32 s24;
	s22 =	smov.u32 s25;
	p1 =	sne.s32 s24, $0x310  }
.Ltmp0:
0x25: {  	s24 =	sadd.s32 $0x10, s24;
	(pc) =	sbr.rel @p1 .LBB2_3-.Ltmp0, $2  }
0x26: {  	_ =	sdelay $0x2  }
0x27: {  	s25 =	sadd.s32 $0x80, s25;
	s26 =	sadd.s32 s26, s23  }
0x28: {  	[hbm4b:s26+s2] =	stream.linear.scatter [tilespmem:s22], [sflag:$0x2], $0x40, $0x38;
	[tilespmem:$0x14B40] =	vst v63  }
0x29: {  	s22 =	sadd.s32 s21, s7;
	_ =	swait.ge [sflag:s11], $0xC80  }
0x2a: {  	s23 =	simm.s32 $0x7D00;
	s24 =	simm.s32 $0x10;
	[sflag:s11] =	ssyncset.done $0x0  }
0x2b: {  	s25 =	simm.s32 $0x7D80;
	s26 =	sadd.s32 $0x0, s22;
	[sflag:s11] =	ssyncadd.s32 $0xFFFFF380  }
.LBB2_5:
0x2c: {  	[hbm4b:s26+s2] =	stream.linear.scatter [tilespmem:s23], [sflag:$0x2], $0x40, $0x38;
	[tilespmem:$0x14B40] =	vst v63  }
0x2d: {  	s26 =	smov.u32 s24;
	s23 =	smov.u32 s25;
	p1 =	sne.s32 s24, $0x310  }
.Ltmp1:
0x2e: {  	s24 =	sadd.s32 $0x10, s24;
	(pc) =	sbr.rel @p1 .LBB2_5-.Ltmp1, $2  }
0x2f: {  	_ =	sdelay $0x2  }
0x30: {  	s25 =	sadd.s32 $0x80, s25;
	s26 =	sadd.s32 s26, s22  }
0x31: {  	[hbm4b:s26+s2] =	stream.linear.scatter [tilespmem:s23], [sflag:$0x2], $0x40, $0x38;
	[tilespmem:$0x14B40] =	vst v63  }
0x32: {  	s21 =	sadd.s32 s21, s8;
	_ =	swait.ge [sflag:s11], $0xC80  }
0x33: {  	s22 =	simm.s32 $0x9600;
	s23 =	simm.s32 $0x10;
	[sflag:s11] =	ssyncset.done $0x0  }
0x34: {  	s24 =	simm.s32 $0x9680;
	s25 =	sadd.s32 $0x0, s21;
	[sflag:s11] =	ssyncadd.s32 $0xFFFFF380  }
.LBB2_7:
0x35: {  	[hbm4b:s25+s2] =	stream.linear.scatter [tilespmem:s22], [sflag:$0x2], $0x40, $0x38;
	[tilespmem:$0x14B40] =	vst v63  }
0x36: {  	s25 =	smov.u32 s23;
	s22 =	smov.u32 s24;
	p1 =	sne.s32 s23, $0x310  }
.Ltmp2:
0x37: {  	s23 =	sadd.s32 $0x10, s23;
	(pc) =	sbr.rel @p1 .LBB2_7-.Ltmp2, $2  }
0x38: {  	_ =	sdelay $0x2  }
0x39: {  	s24 =	sadd.s32 $0x80, s24;
	s25 =	sadd.s32 s25, s21  }
0x3a: {  	s19 =	smul.u32 $0x1C00, s19  }
0x3b: {  	[hbm4b:s25+s2] =	stream.linear.scatter [tilespmem:s22], [sflag:$0x2], $0x40, $0x38;
	[tilespmem:$0x14B40] =	vst v63  }
0x3c: {  	s19 =	sshrl.u32 s19, $0x3  }
0x3d: {  	s21 =	simm.s32 $0xAF00;
	_ =	swait.ge [sflag:s11], $0xC80;
	s19 =	sadd.s32 s4, s19  }
0x3e: {  	s22 =	simm.s32 $0x10;
	[sflag:s11] =	ssyncset.done $0x0;
	s19 =	sadd.s32 $0xA80, s19  }
0x3f: {  	s23 =	simm.s32 $0xAF80;
	[sflag:s11] =	ssyncadd.s32 $0xFFFFF380;
	s24 =	sadd.s32 $0x0, s19  }
.LBB2_9:
0x40: {  	[hbm4b:s24+s2] =	stream.linear.scatter [tilespmem:s21], [sflag:$0x2], $0x40, $0x38;
	[tilespmem:$0x14B40] =	vst v63  }
0x41: {  	s24 =	smov.u32 s22;
	s21 =	smov.u32 s23;
	p1 =	sne.s32 s22, $0x310  }
.Ltmp3:
0x42: {  	s22 =	sadd.s32 $0x10, s22;
	(pc) =	sbr.rel @p1 .LBB2_9-.Ltmp3, $2  }
0x43: {  	_ =	sdelay $0x2  }
0x44: {  	s23 =	sadd.s32 $0x80, s23;
	s24 =	sadd.s32 s24, s19  }
0x45: {  	[hbm4b:s24+s2] =	stream.linear.scatter [tilespmem:s21], [sflag:$0x2], $0x40, $0x38;
	[tilespmem:$0x14B40] =	vst v63  }
0x46: {  	_ =	swait.ge [sflag:s11], $0xC80  }
0x47: {  	[sflag:s11] =	ssyncset.done $0x0  }
0x48: {  	s19 =	sor.u32 $0x2, s18;
	[sflag:s11] =	ssyncadd.s32 $0xFFFFF380  }
0x49: {  	s20 =	sshll.u32 s20, $0x2;
	s31 =	smul.u32 $0x320, s19;
	_ =	swait.ge [sflag:s13], $0x6400  }
0x4a: {  	s20 =	sadd.s32 s5, s20;
	[sflag:s13] =	ssyncset.done $0x0  }
0x4b: {  	s22 =	smul.u32 $0x380, s20;
	s21 =	sshra.s32 s31, $0x2;
	[sflag:s13] =	ssyncadd.s32 $0xFFFF9C00  }
0x4c: {  	[tilespmem:s15], [sflag:$0x1] =	stream.indirect.gather [spmem:s1], $0x80, s21, s12, $0xb8;
	[tilespmem:$0x14B40] =	vst v63  }
0x4d: {  	s23 =	simm.s32 $0x10;
	s21 =	sadd.s32 s4, s22  }
0x4e: {  	s24 =	simm.s32 $0xC880;
	s22 =	simm.s32 $0xC800;
	s25 =	sadd.s32 $0x0, s21  }
.LBB2_11:
0x4f: {  	[hbm4b:s25+s2] =	stream.linear.scatter [tilespmem:s22], [sflag:$0x2], $0x40, $0x38;
	[tilespmem:$0x14B40] =	vst v63  }
0x50: {  	s25 =	smov.u32 s23;
	s22 =	smov.u32 s24;
	p1 =	sne.s32 s23, $0x310  }
.Ltmp4:
0x51: {  	s23 =	sadd.s32 $0x10, s23;
	(pc) =	sbr.rel @p1 .LBB2_11-.Ltmp4, $2  }
0x52: {  	_ =	sdelay $0x2  }
0x53: {  	s24 =	sadd.s32 $0x80, s24;
	s25 =	sadd.s32 s25, s21  }
0x54: {  	s20 =	smul.u32 $0x1C00, s20  }
0x55: {  	[hbm4b:s25+s2] =	stream.linear.scatter [tilespmem:s22], [sflag:$0x2], $0x40, $0x38;
	[tilespmem:$0x14B40] =	vst v63  }
0x56: {  	s20 =	sshrl.u32 s20, $0x3  }
0x57: {  	s22 =	simm.s32 $0xE100;
	_ =	swait.ge [sflag:s11], $0xC80;
	s20 =	sadd.s32 s4, s20  }
0x58: {  	s23 =	simm.s32 $0x10;
	[sflag:s11] =	ssyncset.done $0x0;
	s21 =	sadd.s32 $0x380, s20  }
0x59: {  	s24 =	simm.s32 $0xE180;
	[sflag:s11] =	ssyncadd.s32 $0xFFFFF380;
	s25 =	sadd.s32 $0x0, s21  }
.LBB2_13:
0x5a: {  	[hbm4b:s25+s2] =	stream.linear.scatter [tilespmem:s22], [sflag:$0x2], $0x40, $0x38;
	[tilespmem:$0x14B40] =	vst v63  }
0x5b: {  	s25 =	smov.u32 s23;
	s22 =	smov.u32 s24;
	p1 =	sne.s32 s23, $0x310  }
.Ltmp5:
0x5c: {  	s23 =	sadd.s32 $0x10, s23;
	(pc) =	sbr.rel @p1 .LBB2_13-.Ltmp5, $2  }
0x5d: {  	_ =	sdelay $0x2  }
0x5e: {  	s24 =	sadd.s32 $0x80, s24;
	s25 =	sadd.s32 s25, s21  }
0x5f: {  	[hbm4b:s25+s2] =	stream.linear.scatter [tilespmem:s22], [sflag:$0x2], $0x40, $0x38;
	[tilespmem:$0x14B40] =	vst v63  }
0x60: {  	s21 =	sadd.s32 $0x700, s20;
	_ =	swait.ge [sflag:s11], $0xC80  }
0x61: {  	s22 =	simm.s32 $0xFA00;
	s23 =	simm.s32 $0x10;
	[sflag:s11] =	ssyncset.done $0x0  }
0x62: {  	s24 =	simm.s32 $0xFA80;
	s25 =	sadd.s32 $0x0, s21;
	[sflag:s11] =	ssyncadd.s32 $0xFFFFF380  }
.LBB2_15:
0x63: {  	[hbm4b:s25+s2] =	stream.linear.scatter [tilespmem:s22], [sflag:$0x2], $0x40, $0x38;
	[tilespmem:$0x14B40] =	vst v63  }
0x64: {  	s25 =	smov.u32 s23;
	s22 =	smov.u32 s24;
	p1 =	sne.s32 s23, $0x310  }
.Ltmp6:
0x65: {  	s23 =	sadd.s32 $0x10, s23;
	(pc) =	sbr.rel @p1 .LBB2_15-.Ltmp6, $2  }
0x66: {  	_ =	sdelay $0x2  }
0x67: {  	s24 =	sadd.s32 $0x80, s24;
	s25 =	sadd.s32 s25, s21  }
0x68: {  	[hbm4b:s25+s2] =	stream.linear.scatter [tilespmem:s22], [sflag:$0x2], $0x40, $0x38;
	[tilespmem:$0x14B40] =	vst v63  }
0x69: {  	s20 =	sadd.s32 $0xA80, s20;
	_ =	swait.ge [sflag:s11], $0xC80  }
0x6a: {  	s21 =	simm.s32 $0x11300;
	s22 =	simm.s32 $0x10;
	[sflag:s11] =	ssyncset.done $0x0  }
0x6b: {  	s23 =	simm.s32 $0x11380;
	s24 =	sadd.s32 $0x0, s20;
	[sflag:s11] =	ssyncadd.s32 $0xFFFFF380  }
.LBB2_17:
0x6c: {  	[hbm4b:s24+s2] =	stream.linear.scatter [tilespmem:s21], [sflag:$0x2], $0x40, $0x38;
	[tilespmem:$0x14B40] =	vst v63  }
0x6d: {  	s24 =	smov.u32 s22;
	s21 =	smov.u32 s23;
	p1 =	sne.s32 s22, $0x310  }
.Ltmp7:
0x6e: {  	s22 =	sadd.s32 $0x10, s22;
	(pc) =	sbr.rel @p1 .LBB2_17-.Ltmp7, $2  }
0x6f: {  	_ =	sdelay $0x2  }
0x70: {  	s23 =	sadd.s32 $0x80, s23;
	s24 =	sadd.s32 s24, s20  }
0x71: {  	[hbm4b:s24+s2] =	stream.linear.scatter [tilespmem:s21], [sflag:$0x2], $0x40, $0x38;
	[tilespmem:$0x14B40] =	vst v63  }
0x72: {  	s18 =	sor.u32 $0x3, s18  }
0x73: {  	s19 =	sshll.u32 s19, $0x2;
	_ =	swait.ge [sflag:s11], $0xC80;
	s20 =	smul.u32 $0x320, s18  }
0x74: {  	s19 =	sadd.s32 s5, s19;
	[sflag:s11] =	ssyncset.done $0x0  }
0x75: {  	[sflag:s11] =	ssyncadd.s32 $0xFFFFF380;
	s31 =	sshra.s32 s20, $0x2;
	s20 =	smul.u32 $0x380, s19  }
0x76: {  	s22 =	simm.s32 $0x6400;
	_ =	swait.ge [sflag:s13], $0x6400  }
0x77: {  	s23 =	simm.s32 $0x10;
	[sflag:s13] =	ssyncset.done $0x0;
	s21 =	sadd.s32 s4, s20  }
0x78: {  	s24 =	simm.s32 $0x6480;
	[sflag:s13] =	ssyncadd.s32 $0xFFFF9C00;
	s25 =	sadd.s32 $0x0, s21  }
0x79: {  	[tilespmem:s14], [sflag:$0x1] =	stream.indirect.gather [spmem:s1], $0x80, s31, s12, $0xb8;
	[tilespmem:$0x14B40] =	vst v63  }
.LBB2_19:
0x7a: {  	[hbm4b:s25+s2] =	stream.linear.scatter [tilespmem:s22], [sflag:$0x2], $0x40, $0x38;
	[tilespmem:$0x14B40] =	vst v63  }
0x7b: {  	s25 =	smov.u32 s23;
	s22 =	smov.u32 s24;
	p1 =	sne.s32 s23, $0x310  }
.Ltmp8:
0x7c: {  	s23 =	sadd.s32 $0x10, s23;
	(pc) =	sbr.rel @p1 .LBB2_19-.Ltmp8, $2  }
0x7d: {  	_ =	sdelay $0x2  }
0x7e: {  	s24 =	sadd.s32 $0x80, s24;
	s25 =	sadd.s32 s25, s21  }
0x7f: {  	[hbm4b:s25+s2] =	stream.linear.scatter [tilespmem:s22], [sflag:$0x2], $0x40, $0x38;
	[tilespmem:$0x14B40] =	vst v63  }
0x80: {  	s20 =	sadd.s32 s20, s7;
	_ =	swait.ge [sflag:s11], $0xC80  }
0x81: {  	s21 =	simm.s32 $0x7D00;
	s22 =	simm.s32 $0x10;
	[sflag:s11] =	ssyncset.done $0x0  }
0x82: {  	s23 =	simm.s32 $0x7D80;
	s24 =	sadd.s32 $0x0, s20;
	[sflag:s11] =	ssyncadd.s32 $0xFFFFF380  }
.LBB2_21:
0x83: {  	[hbm4b:s24+s2] =	stream.linear.scatter [tilespmem:s21], [sflag:$0x2], $0x40, $0x38;
	[tilespmem:$0x14B40] =	vst v63  }
0x84: {  	s24 =	smov.u32 s22;
	s21 =	smov.u32 s23;
	p1 =	sne.s32 s22, $0x310  }
.Ltmp9:
0x85: {  	s22 =	sadd.s32 $0x10, s22;
	(pc) =	sbr.rel @p1 .LBB2_21-.Ltmp9, $2  }
0x86: {  	_ =	sdelay $0x2  }
0x87: {  	s23 =	sadd.s32 $0x80, s23;
	s24 =	sadd.s32 s24, s20  }
0x88: {  	s19 =	smul.u32 $0x1C00, s19  }
0x89: {  	[hbm4b:s24+s2] =	stream.linear.scatter [tilespmem:s21], [sflag:$0x2], $0x40, $0x38;
	[tilespmem:$0x14B40] =	vst v63  }
0x8a: {  	s19 =	sshrl.u32 s19, $0x3  }
0x8b: {  	s21 =	simm.s32 $0x9600;
	_ =	swait.ge [sflag:s11], $0xC80;
	s19 =	sadd.s32 s4, s19  }
0x8c: {  	s22 =	simm.s32 $0x10;
	[sflag:s11] =	ssyncset.done $0x0;
	s20 =	sadd.s32 $0x700, s19  }
0x8d: {  	s23 =	simm.s32 $0x9680;
	[sflag:s11] =	ssyncadd.s32 $0xFFFFF380;
	s24 =	sadd.s32 $0x0, s20  }
.LBB2_23:
0x8e: {  	[hbm4b:s24+s2] =	stream.linear.scatter [tilespmem:s21], [sflag:$0x2], $0x40, $0x38;
	[tilespmem:$0x14B40] =	vst v63  }
0x8f: {  	s24 =	smov.u32 s22;
	s21 =	smov.u32 s23;
	p1 =	sne.s32 s22, $0x310  }
.Ltmp10:
0x90: {  	s22 =	sadd.s32 $0x10, s22;
	(pc) =	sbr.rel @p1 .LBB2_23-.Ltmp10, $2  }
0x91: {  	_ =	sdelay $0x2  }
0x92: {  	s23 =	sadd.s32 $0x80, s23;
	s24 =	sadd.s32 s24, s20  }
0x93: {  	[hbm4b:s24+s2] =	stream.linear.scatter [tilespmem:s21], [sflag:$0x2], $0x40, $0x38;
	[tilespmem:$0x14B40] =	vst v63  }
0x94: {  	s19 =	sadd.s32 $0xA80, s19;
	_ =	swait.ge [sflag:s11], $0xC80  }
0x95: {  	s20 =	simm.s32 $0xAF00;
	s21 =	simm.s32 $0x10;
	[sflag:s11] =	ssyncset.done $0x0  }
0x96: {  	s22 =	simm.s32 $0xAF80;
	s23 =	sadd.s32 $0x0, s19;
	[sflag:s11] =	ssyncadd.s32 $0xFFFFF380  }
.LBB2_25:
0x97: {  	[hbm4b:s23+s2] =	stream.linear.scatter [tilespmem:s20], [sflag:$0x2], $0x40, $0x38;
	[tilespmem:$0x14B40] =	vst v63  }
0x98: {  	s23 =	smov.u32 s21;
	s20 =	smov.u32 s22;
	p1 =	sne.s32 s21, $0x310  }
.Ltmp11:
0x99: {  	s21 =	sadd.s32 $0x10, s21;
	(pc) =	sbr.rel @p1 .LBB2_25-.Ltmp11, $2  }
0x9a: {  	_ =	sdelay $0x2  }
0x9b: {  	s22 =	sadd.s32 $0x80, s22;
	s23 =	sadd.s32 s23, s19  }
0x9c: {  	[hbm4b:s23+s2] =	stream.linear.scatter [tilespmem:s20], [sflag:$0x2], $0x40, $0x38;
	[tilespmem:$0x14B40] =	vst v63  }
0x9d: {  	s18 =	sshll.u32 s18, $0x2;
	_ =	swait.ge [sflag:s11], $0xC80  }
0x9e: {  	s18 =	sadd.s32 s5, s18;
	[sflag:s11] =	ssyncset.done $0x0  }
0x9f: {  	s19 =	smul.u32 $0x380, s18;
	[sflag:s11] =	ssyncadd.s32 $0xFFFFF380  }
0xa0: {  	s20 =	simm.s32 $0xC800;
	_ =	swait.ge [sflag:s13], $0x6400  }
0xa1: {  	s21 =	simm.s32 $0x10;
	s19 =	sadd.s32 s4, s19;
	[sflag:s13] =	ssyncset.done $0x0  }
0xa2: {  	s22 =	simm.s32 $0xC880;
	s23 =	sadd.s32 $0x0, s19;
	[sflag:s13] =	ssyncadd.s32 $0xFFFF9C00  }
.LBB2_27:
0xa3: {  	[hbm4b:s23+s2] =	stream.linear.scatter [tilespmem:s20], [sflag:$0x2], $0x40, $0x38;
	[tilespmem:$0x14B40] =	vst v63  }
0xa4: {  	s23 =	smov.u32 s21;
	s20 =	smov.u32 s22;
	p1 =	sne.s32 s21, $0x310  }
.Ltmp12:
0xa5: {  	s21 =	sadd.s32 $0x10, s21;
	(pc) =	sbr.rel @p1 .LBB2_27-.Ltmp12, $2  }
0xa6: {  	_ =	sdelay $0x2  }
0xa7: {  	s22 =	sadd.s32 $0x80, s22;
	s23 =	sadd.s32 s23, s19  }
0xa8: {  	s18 =	smul.u32 $0x1C00, s18  }
0xa9: {  	[hbm4b:s23+s2] =	stream.linear.scatter [tilespmem:s20], [sflag:$0x2], $0x40, $0x38;
	[tilespmem:$0x14B40] =	vst v63  }
0xaa: {  	s18 =	sshrl.u32 s18, $0x3  }
0xab: {  	s20 =	simm.s32 $0xE100;
	_ =	swait.ge [sflag:s11], $0xC80;
	s18 =	sadd.s32 s4, s18  }
0xac: {  	s21 =	simm.s32 $0x10;
	[sflag:s11] =	ssyncset.done $0x0;
	s19 =	sadd.s32 $0x380, s18  }
0xad: {  	s22 =	simm.s32 $0xE180;
	[sflag:s11] =	ssyncadd.s32 $0xFFFFF380;
	s23 =	sadd.s32 $0x0, s19  }
.LBB2_29:
0xae: {  	[hbm4b:s23+s2] =	stream.linear.scatter [tilespmem:s20], [sflag:$0x2], $0x40, $0x38;
	[tilespmem:$0x14B40] =	vst v63  }
0xaf: {  	s23 =	smov.u32 s21;
	s20 =	smov.u32 s22;
	p1 =	sne.s32 s21, $0x310  }
.Ltmp13:
0xb0: {  	s21 =	sadd.s32 $0x10, s21;
	(pc) =	sbr.rel @p1 .LBB2_29-.Ltmp13, $2  }
0xb1: {  	_ =	sdelay $0x2  }
0xb2: {  	s22 =	sadd.s32 $0x80, s22;
	s23 =	sadd.s32 s23, s19  }
0xb3: {  	[hbm4b:s23+s2] =	stream.linear.scatter [tilespmem:s20], [sflag:$0x2], $0x40, $0x38;
	[tilespmem:$0x14B40] =	vst v63  }
0xb4: {  	s19 =	sadd.s32 $0x700, s18;
	_ =	swait.ge [sflag:s11], $0xC80  }
0xb5: {  	s20 =	simm.s32 $0xFA00;
	s21 =	simm.s32 $0x10;
	[sflag:s11] =	ssyncset.done $0x0  }
0xb6: {  	s22 =	simm.s32 $0xFA80;
	s23 =	sadd.s32 $0x0, s19;
	[sflag:s11] =	ssyncadd.s32 $0xFFFFF380  }
.LBB2_31:
0xb7: {  	[hbm4b:s23+s2] =	stream.linear.scatter [tilespmem:s20], [sflag:$0x2], $0x40, $0x38;
	[tilespmem:$0x14B40] =	vst v63  }
0xb8: {  	s23 =	smov.u32 s21;
	s20 =	smov.u32 s22;
	p1 =	sne.s32 s21, $0x310  }
.Ltmp14:
0xb9: {  	s21 =	sadd.s32 $0x10, s21;
	(pc) =	sbr.rel @p1 .LBB2_31-.Ltmp14, $2  }
0xba: {  	_ =	sdelay $0x2  }
0xbb: {  	s22 =	sadd.s32 $0x80, s22;
	s23 =	sadd.s32 s23, s19  }
0xbc: {  	[hbm4b:s23+s2] =	stream.linear.scatter [tilespmem:s20], [sflag:$0x2], $0x40, $0x38;
	[tilespmem:$0x14B40] =	vst v63  }
0xbd: {  	s18 =	sadd.s32 $0xA80, s18;
	_ =	swait.ge [sflag:s11], $0xC80  }
0xbe: {  	s19 =	simm.s32 $0x11300;
	s20 =	simm.s32 $0x10;
	[sflag:s11] =	ssyncset.done $0x0  }
0xbf: {  	s21 =	simm.s32 $0x11380;
	s22 =	sadd.s32 $0x0, s18;
	[sflag:s11] =	ssyncadd.s32 $0xFFFFF380  }
.LBB2_33:
0xc0: {  	[hbm4b:s22+s2] =	stream.linear.scatter [tilespmem:s19], [sflag:$0x2], $0x40, $0x38;
	[tilespmem:$0x14B40] =	vst v63  }
0xc1: {  	s22 =	smov.u32 s20;
	s19 =	smov.u32 s21;
	p1 =	sne.s32 s20, $0x310  }
.Ltmp15:
0xc2: {  	s20 =	sadd.s32 $0x10, s20;
	(pc) =	sbr.rel @p1 .LBB2_33-.Ltmp15, $2  }
0xc3: {  	_ =	sdelay $0x2  }
0xc4: {  	s21 =	sadd.s32 $0x80, s21;
	s22 =	sadd.s32 s22, s18  }
0xc5: {  	s17 =	sadd.s32 $0x1, s17  }
0xc6: {  	p1 =	sne.s32 s17, $0x20  }
.Ltmp16:
0xc7: {  	_ = 	snop;
	(pc) =	sbr.rel @p1 .LBB2_2-.Ltmp16, $4  }
0xc8: {  	[hbm4b:s22+s2] =	stream.linear.scatter [tilespmem:s19], [sflag:$0x2], $0x40, $0x38;
	[tilespmem:$0x14B40] =	vst v63  }
0xc9: {  	_ =	swait.ge [sflag:s11], $0xC80  }
0xca: {  	[sflag:s11] =	ssyncset.done $0x0  }
0xcb: {  	[sflag:s11] =	ssyncadd.s32 $0xFFFFF380  }
0xcc: {  	s16 =	sadd.s32 $0x1, s16  }
0xcd: {  	p1 =	sne.s32 s16, s9  }
.Ltmp17:
0xce: {  	_ = 	snop;
	(pc) =	sbr.rel @p1 .LBB2_1-.Ltmp17, $1  }
0xcf: {  	_ =	sdelay $0x3  }
0xd0: {  	_ =	sfence.sel $0x180000  }
0xd1: {  	[bflag:$0x0] =	sbarrier.arrive $0xFFFF  }
0xd2: {  	_ =	strace $0x90000047  }
0xd3: {  	s0 =	sadd.s32 @!p0 $0x100000, s0;
	[bflag:$0x2] =	sbarrier.arrive $0xFFFF  }
0xd4: {  	[sflag:s0] =	ssyncadd.tile.s32 @!p0 $0x1;
	_ =	shalt  }
.Lfunc_end2:
_tile_overlayer_lowered:
.L_overlay_start_2:
0xd5: {  	(tag) =	ssettag $0x2  }
0xd6: {  	s0 =	rddreg [dreg:$0x0];
	s2 =	stileid.u32  }
0xd7: {  	s1 =	rddreg [dreg:$0x1];
	p0 =	sne.s32 s2, $0x0  }
0xd8: {  	s3 =	rddreg [dreg:$0x2];
	[bflag:$0x3] =	sbarrier.arrive $0xFFFF;
	s2 =	simm.s32 @!p0 $0x1C02  }
0xd9: {  	[timem:s3], [sflag:s2] =	dma.local @!p0 [hbm:s0], s1  }
0xda: {  	s0 =	simm.s32 @!p0 $0x2  }
0xdb: {  	_ =	swait.ge @!p0 [sflag:s0], s1  }
0xdc: {  	s1 =	ssub.s32 @!p0 $0x0, s1;
	[sflag:s0] =	ssyncset.done @!p0 $0x0  }
0xdd: {  	[sflag:s0] =	ssyncadd.s32 @!p0 s1  }
0xde: {  	[bflag:$0x3] =	sbarrier.arrive $0xFFFF  }
0xdf: {  	_ =	shalt  }

// kernel: sparse-core-data-format-call.cloned.1.call-start
scs
called_computation_lowered:
.L_overlay_start_0:
0x0: {  	s2 =	sld [smem:$0x3FD9]  }
0x1: {  	s3 =	sld [smem:$0x3FFE];
	_ =	sdelay $0x1  }
0x2: {  	s1 =	srdreg.scid  }
0x3: {  	s0 =	sand.u32 $0x1, s1  }
0x4: {  	s18 =	sshll.u32 s0, $0xA;
	s2 =	sadd.s32 s3, s2  }
0x5: {  	s2 =	sadd.s32 s2, s18  }
0x6: {  	[smem:$0x3FBE] =	sst s2  }
0x7: {  	_ = 	snop  }
0x8: {  	s2 =	sld [smem:$0x3FD0];
	(tm) =	ssettm $0x1  }
0x9: {  	s19 =	sld [smem:$0x3FFB];
	_ =	sdelay $0x3  }
0xa: {  	_ =	strace s19  }
0xb: {  	s3 =	sld [smem:$0x3FFC];
	_ =	sdelay $0x3  }
0xc: {  	_ =	strace s3  }
0xd: {  	s3 =	sld [smem:$0x3FFD];
	_ =	sdelay $0x3  }
0xe: {  	_ =	strace s3  }
0xf: {  	_ =	strace $0x8FFFFFFF  }
0x10: {  	s20 =	sld [smem:$0x3FDB];
	_ =	sdelay $0x1  }
0x11: {  	s4 =	simm.s32 $_scs_section_size  }
0x12: {  	s5 =	simm.s32 $_size__tile_overlayer_lowered;
	s6 =	simm.s32 $_tile_overlayer_lowered  }
0x13: {  	s23 =	simm.s32 $0x1BFF;
	s22 =	sshll.u32 s6, $0x1;
	s3 =	sadd.s32 s4, s20  }
0x14: {  	s7 =	simm.s32 $0x0;
	s21 =	sshll.u32 s5, $0x1;
	s5 =	sadd.s32 s22, s3  }
0x15: {  	[timem:s7], [sflag:s23] =	dma.local [hbm:s5], s21  }
0x16: {  	_ =	swait.ge [sflag:s23], s21  }
0x17: {  	s4 =	ssub.s32 $0x0, s21;
	[sflag:s23] =	ssyncset.done $0x0  }
0x18: {  	[sflag:s23] =	ssyncadd.s32 s4;
	_ =	sdelay $0x1  }
0x19: {  	s24 =	simm.s32 $0x1B8B  }
0x1a: {  	_ =	swait.ge [sflag:s24], $0x1  }
0x1b: {  	[sflag:s24] =	ssyncset.done $0x0  }
0x1c: {  	s26 =	simm.s32 $0x1B8E;
	s25 =	sld [smem:$0x3FFE];
	[sflag:s24] =	ssyncadd.s32 $0xFFFFFFFF  }
0x1d: {  	s27 =	simm.s32 $execute0_lowered;
	[smem:$0x3FD2] =	sst s26  }
0x1e: {  	s5 =	sshll.u32 s27, $0x1;
	_ =	strace $0x80000049;
	[dreg:$0x1] =	wrdreg $0xFFFFFFFF  }
0x1f: {  	s28 =	simm.s32 $_size_execute0_lowered;
	s3 =	sadd.s32 s3, s5;
	[dreg:$0x0] =	wrdreg $0x0  }
0x20: {  	s5 =	sshll.u32 s28, $0x1;
	[dreg:$0x2] =	wrdreg s3  }
0x21: {  	[dreg:$0x3] =	wrdreg s5  }
0x22: {  	[dreg:$0x4] =	wrdreg $0xC0  }
0x23: {  	_ =	task [dreg:s7], $0x5FFFF  }
0x24: {  	[dreg:$0x1] =	wrdreg $0xFFFFFFFF  }
0x25: {  	[dreg:$0x0] =	wrdreg $0x60  }
0x26: {  	[dreg:$0x2] =	wrdreg s25  }
0x27: {  	[dreg:$0x3] =	wrdreg s2  }
0x28: {  	[dreg:$0x4] =	wrdreg $0x9  }
0x29: {  	_ =	task.clear_ibuf [dreg:s7], $0x5FFFF;
	_ =	strace $0x90000049  }
0x2a: {  	s29 =	simm.s32 $0x9;
	_ =	strace $0x8000004B  }
0x2b: {  	_ =	swait.ge [sflag:s29], $0x1  }
0x2c: {  	[sflag:s29] =	ssyncadd.s32 $0xFFFFFFFF  }
0x2d: {  	_ =	strace $0x9000004B  }
0x2e: {  	_ =	sfence  }
0x2f: {  	s30 =	sld [smem:$0x0];
	_ =	sdelay $0x2  }
0x30: {  	s31 =	sshll.u32 s1, $0xD;
	s1 =	sshrl.u32 s1, $0x2  }
0x31: {  	s3 =	sand.u32 $0x4000, s31;
	s1 =	sadd.s32 s1, s30  }
0x32: {  	s0 =	sor.u32 s3, s0;
	s1 =	sshll.u32 s1, $0x11  }
0x33: {  	s0 =	sor.u32 s1, s0  }
0x34: {  	s0 =	sadd.s32 $0x8F2B, s0  }
0x35: {  	[sflag:s0] =	ssyncadd.remote.s32 $0x1  }
0x36: {  	_ =	sfence.sel $0xFFFF  }
0x37: {  	[dreg:$0x0] =	wrdreg $0xFFFFFFFF;
	(pc) =	sbr.abs _section_cstart, $3  }
0x38: {  	[dreg:$0x1] =	wrdreg $0xFFFFFFFF  }
0x39: {  	_ =	task.clear_ibuf [dreg:s7], $0x2FFFF;
	_ =	strace $0x9FFFFFFF  }
0x3a: {  	(tm) =	ssettm $0x7FFFFFFF  }
0x3b: {  	_ =	shalt  }
tec
execute0_lowered:
.L_overlay_start_1:
0x0: {  	(tag) =	ssettag $0x1  }
0x1: {  	s0 =	srdreg.scid  }
0x2: {  	s1 =	sshll.u32 s0, $0x4  }
0x3: {  	s0 =	stileid.u32;
	s1 =	sand.u32 $0x10, s1  }
0x4: {  	s1 =	sor.u32 s0, s1  }
0x5: {  	s6 =	rddreg [dreg:$0x0];
	s4 =	simm.s32 $0x1;
	s2 =	sshll.u32 s1, $0x7  }
0x6: {  	s7 =	simm.s32 $0x2;
	s12 =	simm.s32 $0x0;
	s1 =	ssub.s32 $0x4000, s2  }
0x7: {  	s8 =	simm.s32 $0x20000;
	s13 =	simm.s32 $0x0;
	s3 =	sand.u32 $0xF80, s1  }
0x8: {  	s9 =	simm.s32 $0x0;
	s5 =	sshrl.u32 s1, $0xC;
	p0 =	sne.s32 s3, $0x0  }
.Ltmp0:
0x9: {  	s1 =	rddreg [dreg:$0x2];
	s4 =	simm.s32 @!p0 $0x0;
	(pc) =	sbr.rel .LBB1_1-.Ltmp0, $4  }
0xa: {  	s11 =	simm.s32 $0x0;
	s3 =	rddreg [dreg:$0x1];
	s5 =	sadd.s32 s4, s5  }
0xb: {  	_ =	strace $0x8000004A;
	s4 =	simm.s32 $0x1;
	s5 =	smul.u32 $0x32, s5  }
0xc: {  	s6 =	sadd.s32 $0x5600, s6;
	s10 =	smov.u32 s2;
	[sflag:s4] =	ssyncpa.u1 $0x0  }
0xd: {  	p0 =	por $0x0, $0x0;
	[sflag:s7] =	ssyncpa.u1 $0x0;
	s7 =	sor.u32 $0x1, s5  }
.LBB1_4:
0xe: {  	s16 =	sshll.u32 s13, $0x3;
	s17 =	sand.u32 $0x78, s13  }
0xf: {  	s30 =	sand.u32 $0x1F800, s13;
	s12 =	sshll.u32 s12, $0x11;
	s16 =	sand.u32 $0x3C00, s16  }
0x10: {  	[tilespmem:s15+$0x810 ss:$0x81] =	vst.msk $0xffff, v2;
	s31 =	sand.u32 $0x7, s13;
	s16 =	sor.u32 s17, s16;
	s17 =	sadd.s32 s3, s30  }
0x11: {  	[tilespmem:s15+$0x1020 ss:$0x81] =	vst.msk $0xffff, v0;
	s13 =	sshll.u32 s31, $0x12;
	s12 =	sadd.s32 s12, s17;
	s16 =	sshrl.u32 s16, $0x3  }
0x12: {  	[tilespmem:s15+$0x0 ss:$0x81] =	vst.msk $0xffff, v1;
	s13 =	sor.u32 $0x400, s13;
	s12 =	sadd.s32 s16, s12  }
0x13: {  	[hbm4b:s12+s13] =	stream.strided.scatter [tilespmem:s14], [sflag:$0x2], $0x2000, s8, s13, $0x20;
	[tilespmem:$0x8080] =	vst v63  }
.LBB1_5:
0x14: {  	s14 =	sadd.s32 $0x1, s9  }
0x15: {  	s12 =	sadd.s32 $0x1000, s10;
	s16 =	smov.u32 s10;
	p2 =	sgt.s32 s14, $0x31  }
0x16: {  	s16 =	smov.u32 @p2 s12  }
0x17: {  	s14 =	simm.s32 @p2 $0x0;
	p2 =	sgt.s32 s16, $0x3FFF  }
0x18: {  	s16 =	smov.u32 @p2 s2;
	p2 =	sne.s32 s11, s7  }
.Ltmp1:
0x19: {  	p1 =	slt.u32 s11, $0x2;
	(pc) =	sbr.rel @!p2 .LBB1_6-.Ltmp1, $4  }
0x1a: {  	s15 =	simm.s32 @!p1 $0x2  }
0x1b: {  	s13 =	smov.u32 s10;
	p0 =	por !p0, !p0;
	_ =	swait.ge @!p1 [sflag:s15], $0x2000  }
0x1c: {  	s12 =	smov.u32 s9;
	[sflag:s15] =	ssyncset.done @!p1 $0x0;
	s9 =	smov.u32 s14  }
0x1d: {  	s11 =	sadd.s32 $0x1, s11;
	[sflag:s15] =	ssyncadd.s32 @!p1 $0xFFFFE000;
	s10 =	smov.u32 s16  }
.LBB1_1:
0x1e: {  	p1 =	sge.u32 s11, s5  }
0x1f: {  	s14 =	sand.u32 @!p1 $0x1FFFFFF, s9  }
0x20: {  	s15 =	smulhi.u32 @!p1 $0x4924925, s14;
	_ =	sdelay $0x1  }
0x21: {  	s15 =	smul.u32 @!p1 $0x38, s15  }
0x22: {  	s16 =	sxor.u32 @!p1 $0xFFFFFFFF, s11;
	s17 =	smul.u32 @!p1 $0x380, s10  }
0x23: {  	s31 =	sadd.s32 $0xFFFFFFFF, s11;
	s16 =	sshll.u32 @!p1 s16, $0xD;
	s14 =	ssub.s32 @!p1 s14, s15  }
0x24: {  	s15 =	sand.u32 @!p1 $0x2000, s16;
	s16 =	sadd.s32 @!p1 s6, s17;
	s14 =	sshll.u32 @!p1 s14, $0x4  }
0x25: {  	s17 =	simm.s32 @!p1 $0x1C00;
	s14 =	sadd.s32 @!p1 s14, s16;
	s16 =	simm.s32 @!p1 $0x40  }
0x26: {  	[tilespmem:s15], [sflag:$0x1] =	stream.strided.gather @!p1 [hbm4b:s14+s16], $0x2000, s17, s16, $0x38;
	[tilespmem:$0x8080] =	vst v63  }
0x27: {  	p1 =	sge.u32 s31, s5  }
.Ltmp2:
0x28: {  	_ = 	snop;
	(pc) =	sbr.rel @p1 .LBB1_5-.Ltmp2, $1  }
0x29: {  	_ =	sdelay $0x3  }
0x2a: {  	s14 =	simm.s32 $0x1  }
0x2b: {  	_ =	swait.ge [sflag:s4], $0x2000;
	s14 =	simm.s32 @!p0 $0x0  }
0x2c: {  	[sflag:s4] =	ssyncset.done $0x0;
	s15 =	sshll.u32 s14, $0xD  }
0x2d: {  	[sflag:s4] =	ssyncadd.s32 $0xFFFFE000;
	s18 =	sor.u32 $0x20, s15  }
0x2e: {  	s14 =	smul.u32 $0x8100, s14;
	v3 =	vld [tilespmem:s18+$0x10]  }
0x2f: {  	s30 =	sand.u32 $0x1, s11;
	v2 =	vld [tilespmem:s18+$0xFFFFFFF0]  }
0x30: {  	s15 =	smul.u32 $0x8100, s30;
	s14 =	sshrl.u32 s14, $0x2;
	v0 =	vld [tilespmem:s18+$0x0]  }
0x31: {  	v1 =	vld [tilespmem:s18+$0xFFFFFFE0];
	s16 =	sor.u32 $0x4000, s14  }
0x32: {  	s31 =	sshrl.u32 s15, $0x2;
	s15 =	sadd.s32 $0x0, s16  }
0x33: {  	s17 =	simm.s32 $0x4;
	s18 =	sadd.s32 $0x40, s18;
	s14 =	sor.u32 $0x4000, s31;
	[tilespmem:s15+$0x1830 ss:$0x81] =	vst.msk $0xffff, v3  }
.LBB1_3:
0x34: {  	v3 =	vld [tilespmem:s18+$0x10];
	p1 =	sne.s32 s17, $0x1FC;
	[tilespmem:s15+$0x810 ss:$0x81] =	vst.msk $0xffff, v2;
	s19 =	smov.u32 s17;
	s17 =	sadd.s32 $0x4, s17  }
.Ltmp3:
0x35: {  	v2 =	vld [tilespmem:s18+$0xFFFFFFF0];
	[tilespmem:s15+$0x1020 ss:$0x81] =	vst.msk $0xffff, v0;
	(pc) =	sbr.rel @p1 .LBB1_3-.Ltmp3, $4  }
0x36: {  	v0 =	vld [tilespmem:s18+$0x0];
	[tilespmem:s15+$0x0 ss:$0x81] =	vst.msk $0xffff, v1  }
0x37: {  	s15 =	sshra.s32 s19, $0x2;
	v1 =	vld [tilespmem:s18+$0xFFFFFFE0]  }
0x38: {  	s15 =	sadd.s32 s15, s16  }
0x39: {  	s18 =	sadd.s32 $0x40, s18;
	[tilespmem:s15+$0x1830 ss:$0x81] =	vst.msk $0xffff, v3  }
.Ltmp4:
0x3a: {  	_ = 	snop;
	(pc) =	sbr.rel .LBB1_4-.Ltmp4, $1  }
0x3b: {  	_ =	sdelay $0x3  }
.LBB1_6:
0x3c: {  	_ =	sfence.sel $0x180000  }
0x3d: {  	s2 =	simm.s32 $0x1;
	[bflag:$0x0] =	sbarrier.arrive $0xFFFF  }
0x3e: {  	s31 =	simm.s32 $0x2;
	[sflag:s2] =	ssyncpa.u1 $0x1  }
0x3f: {  	[sflag:s31] =	ssyncpa.u1 $0x1  }
0x40: {  	p0 =	sne.s32 s0, $0x0;
	_ =	strace $0x9000004A  }
0x41: {  	s0 =	sadd.s32 @!p0 $0x100000, s1;
	[bflag:$0x2] =	sbarrier.arrive $0xFFFF  }
0x42: {  	[sflag:s0] =	ssyncadd.tile.s32 @!p0 $0x1;
	_ =	shalt  }
.Lfunc_end1:
_tile_overlayer_lowered:
.L_overlay_start_2:
0x43: {  	(tag) =	ssettag $0x2  }
0x44: {  	s0 =	rddreg [dreg:$0x0];
	s2 =	stileid.u32  }
0x45: {  	s1 =	rddreg [dreg:$0x1];
	p0 =	sne.s32 s2, $0x0  }
0x46: {  	s3 =	rddreg [dreg:$0x2];
	[bflag:$0x3] =	sbarrier.arrive $0xFFFF;
	s2 =	simm.s32 @!p0 $0x1C01  }
0x47: {  	[timem:s3], [sflag:s2] =	dma.local @!p0 [hbm:s0], s1  }
0x48: {  	s0 =	simm.s32 @!p0 $0x1  }
0x49: {  	_ =	swait.ge @!p0 [sflag:s0], s1  }
0x4a: {  	s1 =	ssub.s32 @!p0 $0x0, s1;
	[sflag:s0] =	ssyncset.done @!p0 $0x0  }
0x4b: {  	[sflag:s0] =	ssyncadd.s32 @!p0 s1  }
0x4c: {  	[bflag:$0x3] =	sbarrier.arrive $0xFFFF  }
0x4d: {  	_ =	shalt  }

</sc_bundles>
